<compile_context>
chip_gen: v7x
topology: tpu7x:2x2x1
jax: 0.10.2.dev20260603
libtpu: 0.0.44.dev20260713+nightly
codegen_flags: <defaults>
</compile_context>

<pallas_src>
import functools

import jax
import jax.numpy as jnp
from jax import lax
from jax.experimental import pallas as pl
from jax.experimental.pallas import tpu as pltpu
from jax.experimental.pallas import tpu_sc as plsc

_N = 10000
_M = 320000
_D = 128

_NC = 2
_NS = 16
_NW = _NC * _NS
_MW = _M // _NW


@functools.cache
def _mesh():
    return plsc.VectorSubcoreMesh(core_axis_name="c", subcore_axis_name="s",
                                  num_cores=_NC, num_subcores=_NS)


_BG = 80
_NCG = _MW // _BG
_VPC = _BG // 16


def _count_chunk(cnt_vmem, idx_ref, o):
    for j in range(_VPC):
        v = idx_ref[pl.ds(o + j * 16, 16)]
        cnts, last = plsc.scan_count(v)
        plsc.addupdate_scatter(cnt_vmem, [v], cnts.astype(jnp.float32),
                               mask=last)


def _gather_body(mw, ncg,
                 h_hbm, heads_hbm, tails_hbm,
                 hh_out, ht_out, cnt_out,
                 hiall, tiall, hrA, trA, hrB, trB, cnt_vmem,
                 g1A, g2A, g1B, g2B, w1A, w2A, w1B, w2B):
    c = lax.axis_index("c")
    s = lax.axis_index("s")
    wid = s * _NC + c
    base0 = wid * mw

    pltpu.sync_copy(heads_hbm.at[pl.ds(base0, mw)], hiall)
    pltpu.sync_copy(tails_hbm.at[pl.ds(base0, mw)], tiall)

    def czero(i, carry):
        cnt_vmem[pl.ds(i * 16, 16)] = jnp.zeros((16,), jnp.float32)
        return carry

    lax.fori_loop(0, _N // 16, czero, 0)

    def fire(i, hr, tr, g1, g2):
        o = i * _BG
        pltpu.async_copy(h_hbm.at[hiall.at[pl.ds(o, _BG)]], hr, g1)
        pltpu.async_copy(h_hbm.at[tiall.at[pl.ds(o, _BG)]], tr, g2)
        _count_chunk(cnt_vmem, hiall, o)
        _count_chunk(cnt_vmem, tiall, o)

    def wait_writes(i, hr, tr, w1, w2):
        o = i * _BG
        pltpu.make_async_copy(hr, hh_out.at[pl.ds(base0 + o, _BG)], w1).wait()
        pltpu.make_async_copy(tr, ht_out.at[pl.ds(base0 + o, _BG)], w2).wait()

    def drain(i, hr, tr, g1, g2, w1, w2):
        o = i * _BG
        pltpu.make_async_copy(h_hbm.at[hiall.at[pl.ds(o, _BG)]], hr, g1).wait()
        pltpu.make_async_copy(h_hbm.at[tiall.at[pl.ds(o, _BG)]], tr, g2).wait()
        pltpu.async_copy(hr, hh_out.at[pl.ds(base0 + o, _BG)], w1)
        pltpu.async_copy(tr, ht_out.at[pl.ds(base0 + o, _BG)], w2)

    fire(0, hrA, trA, g1A, g2A)
    fire(1, hrB, trB, g1B, g2B)

    def step(k, carry):
        i = 2 * k
        drain(i, hrA, trA, g1A, g2A, w1A, w2A)

        @pl.when(i + 1 < ncg)
        def _():
            drain(i + 1, hrB, trB, g1B, g2B, w1B, w2B)

        @pl.when(i + 2 < ncg)
        def _():
            wait_writes(i, hrA, trA, w1A, w2A)
            fire(i + 2, hrA, trA, g1A, g2A)

        @pl.when(i + 3 < ncg)
        def _():
            wait_writes(i + 1, hrB, trB, w1B, w2B)
            fire(i + 3, hrB, trB, g1B, g2B)

        return carry

    lax.fori_loop(0, (ncg + 1) // 2, step, 0)
    wait_writes(ncg - 1, hrA, trA, w1A, w2A)
    wait_writes(ncg - 2, hrB, trB, w1B, w2B)

    pltpu.sync_copy(cnt_vmem, cnt_out.at[wid, 0])


@functools.cache
def _gather(m):
    mw = m // _NW
    return pl.kernel(
        functools.partial(_gather_body, mw, mw // _BG),
        out_type=(
            jax.ShapeDtypeStruct((m, _D), jnp.float32),
            jax.ShapeDtypeStruct((m, _D), jnp.float32),
            jax.ShapeDtypeStruct((_NW, 1, _N), jnp.float32),
        ),
        mesh=_mesh(),
        scratch_types=[
            pltpu.VMEM((mw,), jnp.int32),
            pltpu.VMEM((mw,), jnp.int32),
            pltpu.VMEM((_BG, _D), jnp.float32),
            pltpu.VMEM((_BG, _D), jnp.float32),
            pltpu.VMEM((_BG, _D), jnp.float32),
            pltpu.VMEM((_BG, _D), jnp.float32),
            pltpu.VMEM((_N,), jnp.float32),
        ] + [pltpu.SemaphoreType.DMA] * 8,
        compiler_params=pltpu.CompilerParams(needs_layout_passes=False),
    )


def _msg_body(hh_ref, ht_ref, e_ref, r_ref, wf_ref, bf_ref, wb_ref, bb_ref,
              mf_ref, mb_ref):
    hh = hh_ref[...]
    ht = ht_ref[...]
    e = e_ref[...]
    r = r_ref[...]
    wf = wf_ref[...]
    wb = wb_ref[...]
    xf = jnp.concatenate([hh, e, hh * r, e * r], axis=1)
    xb = jnp.concatenate([ht, e, ht * r, e * r], axis=1)
    dn = (((1,), (1,)), ((), ()))
    mf_ref[...] = lax.dot_general(xf, wf, dn,
                                  preferred_element_type=jnp.float32) + bf_ref[...]
    mb_ref[...] = lax.dot_general(xb, wb, dn,
                                  preferred_element_type=jnp.float32) + bb_ref[...]


_BE = 4000


def _messages(hh, htl, e, r, wf, bf, wb, bb):
    m = hh.shape[0]
    grid = m // _BE
    edge_spec = pl.BlockSpec((_BE, _D), lambda i: (i, 0))
    w_spec = pl.BlockSpec((_D, 4 * _D), lambda i: (0, 0))
    b_spec = pl.BlockSpec((1, _D), lambda i: (0, 0))
    return pl.pallas_call(
        _msg_body,
        grid=(grid,),
        in_specs=[edge_spec, edge_spec, edge_spec, edge_spec,
                  w_spec, b_spec, w_spec, b_spec],
        out_specs=[edge_spec, edge_spec],
        out_shape=[
            jax.ShapeDtypeStruct((m, _D), jnp.float32),
            jax.ShapeDtypeStruct((m, _D), jnp.float32),
        ],
    )(hh, htl, e, r, wf, bf.reshape(1, _D), wb, bb.reshape(1, _D))


_BS = 80
_SZC = _N // _BS
_SZI = (_SZC + _NS - 1) // _NS


def _scatter_body(mw, ncs,
                  mf_hbm, mb_hbm, heads_hbm, tails_hbm, za_hbm,
                  agg_out,
                  hiA, tiA, hiB, tiB, mfA, mbA, mfB, mbB, agg_sh,
                  ihA, itA, lfA, lbA, sfA, sbA,
                  ihB, itB, lfB, lbB, sfB, sbB):
    c = lax.axis_index("c")
    s = lax.axis_index("s")

    pltpu.sync_copy(za_hbm, mfA)

    def zstep(k, carry):
        chunk = k * _NS + s

        @pl.when(chunk < _SZC)
        def _():
            pltpu.sync_copy(mfA, agg_sh.at[pl.ds(chunk * _BS, _BS)])

        return carry

    lax.fori_loop(0, _SZI, zstep, 0)
    plsc.subcore_barrier()

    base0 = (c * _NS + s) * mw

    def fire_pre(i, hi, ti, mf, mb, ih, it, lf, lb):
        base = base0 + i * _BS
        pltpu.async_copy(heads_hbm.at[pl.ds(base, _BS)], hi, ih)
        pltpu.async_copy(tails_hbm.at[pl.ds(base, _BS)], ti, it)
        pltpu.async_copy(mf_hbm.at[pl.ds(base, _BS)], mf, lf)
        pltpu.async_copy(mb_hbm.at[pl.ds(base, _BS)], mb, lb)

    def fire_scatter(i, hi, ti, mf, mb, ih, it, lf, lb, sf, sb):
        base = base0 + i * _BS
        pltpu.make_async_copy(heads_hbm.at[pl.ds(base, _BS)], hi, ih).wait()
        pltpu.make_async_copy(tails_hbm.at[pl.ds(base, _BS)], ti, it).wait()
        pltpu.make_async_copy(mf_hbm.at[pl.ds(base, _BS)], mf, lf).wait()
        pltpu.make_async_copy(mb_hbm.at[pl.ds(base, _BS)], mb, lb).wait()
        pltpu.async_copy(mf, agg_sh.at[ti], sf, add=True)
        pltpu.async_copy(mb, agg_sh.at[hi], sb, add=True)

    def drain(i, hi, ti, mf, mb, sf, sb):
        pltpu.make_async_copy(mf, agg_sh.at[ti], sf).wait()
        pltpu.make_async_copy(mb, agg_sh.at[hi], sb).wait()

    fire_pre(0, hiA, tiA, mfA, mbA, ihA, itA, lfA, lbA)
    fire_pre(1, hiB, tiB, mfB, mbB, ihB, itB, lfB, lbB)
    fire_scatter(0, hiA, tiA, mfA, mbA, ihA, itA, lfA, lbA, sfA, sbA)
    fire_scatter(1, hiB, tiB, mfB, mbB, ihB, itB, lfB, lbB, sfB, sbB)

    def step(k, carry):
        i = 2 * k
        drain(i, hiA, tiA, mfA, mbA, sfA, sbA)

        @pl.when(i + 2 < ncs)
        def _():
            fire_pre(i + 2, hiA, tiA, mfA, mbA, ihA, itA, lfA, lbA)

        @pl.when(i + 1 < ncs)
        def _():
            drain(i + 1, hiB, tiB, mfB, mbB, sfB, sbB)

        @pl.when(i + 3 < ncs)
        def _():
            fire_pre(i + 3, hiB, tiB, mfB, mbB, ihB, itB, lfB, lbB)

        @pl.when(i + 2 < ncs)
        def _():
            fire_scatter(i + 2, hiA, tiA, mfA, mbA, ihA, itA, lfA, lbA, sfA, sbA)

        @pl.when(i + 3 < ncs)
        def _():
            fire_scatter(i + 3, hiB, tiB, mfB, mbB, ihB, itB, lfB, lbB, sfB, sbB)

        return carry

    lax.fori_loop(0, (ncs + 1) // 2, step, 0)
    plsc.subcore_barrier()

    def wstep(k, carry):
        chunk = k * _NS + s

        @pl.when(chunk < _SZC)
        def _():
            r0 = chunk * _BS
            pltpu.sync_copy(agg_sh.at[pl.ds(r0, _BS)], mfA)
            pltpu.sync_copy(mfA, agg_out.at[c, pl.ds(r0, _BS)])

        return carry

    lax.fori_loop(0, _SZI, wstep, 0)


@functools.cache
def _scatter(m):
    mw = m // _NW
    return pl.kernel(
        functools.partial(_scatter_body, mw, mw // _BS),
        out_type=jax.ShapeDtypeStruct((_NC, _N, _D), jnp.float32),
        mesh=_mesh(),
        scratch_types=[
            pltpu.VMEM((_BS,), jnp.int32),
            pltpu.VMEM((_BS,), jnp.int32),
            pltpu.VMEM((_BS,), jnp.int32),
            pltpu.VMEM((_BS,), jnp.int32),
            pltpu.VMEM((_BS, _D), jnp.float32),
            pltpu.VMEM((_BS, _D), jnp.float32),
            pltpu.VMEM((_BS, _D), jnp.float32),
            pltpu.VMEM((_BS, _D), jnp.float32),
            pltpu.VMEM_SHARED((_N, _D), jnp.float32),
        ] + [pltpu.SemaphoreType.DMA] * 12,
    )


def _epi_body(agg_ref, cnt_ref, h_ref, g_ref, b_ref, out_ref):
    agg = agg_ref[0] + agg_ref[1]
    cnt = jnp.sum(cnt_ref[...], axis=1)[:, None]
    x = agg / cnt
    x = jnp.where(x >= 0, x, 0.01 * x) + h_ref[...]
    mean = jnp.mean(x, axis=-1, keepdims=True)
    var = jnp.mean(jnp.square(x - mean), axis=-1, keepdims=True)
    out_ref[...] = (x - mean) * lax.rsqrt(var + 1e-5) * g_ref[...] + b_ref[...]


_BN = 2000


def _epilogue(agg_parts, cnt_parts, h, g, b):
    grid = _N // _BN
    return pl.pallas_call(
        _epi_body,
        grid=(grid,),
        in_specs=[
            pl.BlockSpec((_NC, _BN, _D), lambda i: (0, i, 0)),
            pl.BlockSpec((_BN, _NW), lambda i: (i, 0)),
            pl.BlockSpec((_BN, _D), lambda i: (i, 0)),
            pl.BlockSpec((1, _D), lambda i: (0, 0)),
            pl.BlockSpec((1, _D), lambda i: (0, 0)),
        ],
        out_specs=pl.BlockSpec((_BN, _D), lambda i: (i, 0)),
        out_shape=jax.ShapeDtypeStruct((_N, _D), jnp.float32),
    )(agg_parts, cnt_parts, h, g.reshape(1, _D), b.reshape(1, _D))


def kernel(H, E, ht, r_embed, W_fwd, b_fwd, W_back, b_back, ln_gamma, ln_beta):
    heads = ht[:, 0]
    tails = ht[:, 1]
    za80 = jnp.zeros((_BS, _D), jnp.float32)
    hh, htl, cnt = _gather(_M)(H, heads, tails)
    mf, mb = _messages(hh, htl, E, r_embed, W_fwd, b_fwd, W_back, b_back)
    agg = _scatter(_M)(mf, mb, heads, tails, za80)
    return _epilogue(agg, cnt.reshape(_NW, _N).T, H, ln_gamma, ln_beta)

# --- scband reference (transcript-rebuilt; emitter-appended) ---
"""Pipeline reference for scband-message-passing-layer-43731357008326 (READ-ONLY COPY).

The authoritative reference and input builder live on the scoring server;
editing this copy changes nothing except your own understanding.
"""

import jax
import jax.numpy as jnp
import numpy as np

N_NODES = 10000
N_EDGES = 320000
EMBED_DIM = 128


def setup_inputs(seed: int = 0) -> dict:
    key = jax.random.key(seed)
    ks = jax.random.split(key, 10)
    n, m, d = N_NODES, N_EDGES, EMBED_DIM
    H = jax.random.normal(ks[0], (n, d), dtype=jnp.float32)
    E = jax.random.normal(ks[1], (m, d), dtype=jnp.float32)
    ht = jax.random.randint(ks[2], (m, 2), 0, n, dtype=jnp.int32)
    r_embed = jax.random.normal(ks[3], (m, d), dtype=jnp.float32)
    # Linear(4*d -> d) params for fwd and back message layers (PyTorch default init)
    bound = 1.0 / np.sqrt(4 * d)
    W_fwd = jax.random.uniform(ks[4], (d, 4 * d), minval=-bound, maxval=bound, dtype=jnp.float32)
    b_fwd = jax.random.uniform(ks[5], (d,), minval=-bound, maxval=bound, dtype=jnp.float32)
    W_back = jax.random.uniform(ks[6], (d, 4 * d), minval=-bound, maxval=bound, dtype=jnp.float32)
    b_back = jax.random.uniform(ks[7], (d,), minval=-bound, maxval=bound, dtype=jnp.float32)
    ln_gamma = jnp.ones((d,), dtype=jnp.float32)
    ln_beta = jnp.zeros((d,), dtype=jnp.float32)
    return {"H": H, "E": E, "ht": ht, "r_embed": r_embed,
            "W_fwd": W_fwd, "b_fwd": b_fwd, "W_back": W_back, "b_back": b_back,
            "ln_gamma": ln_gamma, "ln_beta": ln_beta}


def _calc_messages(H, E, idx, r_embed, W, b):
    H_idx = H[idx]  # gather: m x d
    raw = jnp.concatenate([H_idx, E, H_idx * r_embed, E * r_embed], axis=1)  # m x 4d
    return raw @ W.T + b  # m x d


def _layer_norm(x, gamma, beta, eps=1e-5):
    mean = jnp.mean(x, axis=-1, keepdims=True)
    var = jnp.mean(jnp.square(x - mean), axis=-1, keepdims=True)
    return (x - mean) / jnp.sqrt(var + eps) * gamma + beta


def reference(H, E, ht, r_embed, W_fwd, b_fwd, W_back, b_back, ln_gamma, ln_beta):
    n, d = H.shape
    heads = ht[:, 0]
    tails = ht[:, 1]
    messages_fwd = _calc_messages(H, E, heads, r_embed, W_fwd, b_fwd)
    messages_back = _calc_messages(H, E, tails, r_embed, W_back, b_back)
    # aggregate
    msg_dst = jnp.concatenate([tails, heads], axis=0)  # 2m
    messages = jnp.concatenate([messages_fwd, messages_back], axis=0)  # 2m x d
    agg = jnp.zeros((n, d), dtype=messages.dtype).at[msg_dst].add(messages)
    num_msgs = jnp.zeros((n,), dtype=jnp.float32).at[msg_dst].add(1.0)
    agg = agg / num_msgs[:, None]
    act = jnp.where(agg >= 0, agg, 0.01 * agg)  # LeakyReLU(0.01)
    out = _layer_norm(act + H, ln_gamma, ln_beta)
    return out

if __name__ == "__main__":
    import jax
    _d = setup_inputs()
    print(jax.jit(kernel)(*tuple(_d.values())))

</pallas_src>

<mosaic_0001>
#map = affine_map<(d0, d1) -> (0, 0)>
#map1 = affine_map<(d0, d1) -> (0)>
#map2 = affine_map<(d0, d1) -> (0, 0, 0)>
module attributes {stable_mosaic.version = 14 : i64} {
  func.func @_gather_body(%arg0: i32, %arg1: i32, %arg2: memref<10000x128xf32, #tpu.memory_space<hbm>>, %arg3: memref<320000xi32, #tpu.memory_space<hbm>>, %arg4: memref<320000xi32, #tpu.memory_space<hbm>>, %arg5: memref<320000x128xf32, #tpu.memory_space<hbm>>, %arg6: memref<320000x128xf32, #tpu.memory_space<hbm>>, %arg7: memref<32x1x10000xf32, #tpu.memory_space<hbm>>, %arg8: memref<10000xi32, #tpu.memory_space<vmem>>, %arg9: memref<10000xi32, #tpu.memory_space<vmem>>, %arg10: memref<80x128xf32, #tpu.memory_space<vmem>>, %arg11: memref<80x128xf32, #tpu.memory_space<vmem>>, %arg12: memref<80x128xf32, #tpu.memory_space<vmem>>, %arg13: memref<80x128xf32, #tpu.memory_space<vmem>>, %arg14: memref<10000xf32, #tpu.memory_space<vmem>>, %arg15: memref<!tpu.dma_semaphore, #tpu.memory_space<semaphore_mem>>, %arg16: memref<!tpu.dma_semaphore, #tpu.memory_space<semaphore_mem>>, %arg17: memref<!tpu.dma_semaphore, #tpu.memory_space<semaphore_mem>>, %arg18: memref<!tpu.dma_semaphore, #tpu.memory_space<semaphore_mem>>, %arg19: memref<!tpu.dma_semaphore, #tpu.memory_space<semaphore_mem>>, %arg20: memref<!tpu.dma_semaphore, #tpu.memory_space<semaphore_mem>>, %arg21: memref<!tpu.dma_semaphore, #tpu.memory_space<semaphore_mem>>, %arg22: memref<!tpu.dma_semaphore, #tpu.memory_space<semaphore_mem>>) attributes {dimension_semantics = [#tpu.dimension_semantics<core_parallel>, #tpu.dimension_semantics<subcore_parallel>], iteration_bounds = array<i64: 2, 16>, scalar_prefetch = 0 : i64, scratch_operands = 15 : i64, tpu.core_type = #tpu.core_type<sc_vector_subcore>, window_params = [{transform_indices = #map}, {transform_indices = #map1}, {transform_indices = #map1}, {transform_indices = #map}, {transform_indices = #map}, {transform_indices = #map2}]} {
    %mul3A = arith.constant 2 : i32
    %mul3A_0 = arith.muli %arg1, %mul3A : i32
    %add3A = arith.addi %mul3A_0, %arg0 : i32
    %mul3A_1 = arith.constant 10000 : i32
    %mul3A_2 = arith.muli %add3A, %mul3A_1 : i32
    "tpu.region"() ({
      %run_scoped3A_192 = tpu.sem_alloc : memref<!tpu.dma_semaphore, #tpu.memory_space<semaphore_mem>>
      %dma_start3A_193 = tpu.memref_slice %arg3[%mul3A_2] : memref<320000xi32, #tpu.memory_space<hbm>> -> memref<10000xi32, #tpu.memory_space<hbm>>
      %dma_start3A_194 = tpu.memref_slice %arg3[%mul3A_2] : memref<320000xi32, #tpu.memory_space<hbm>> -> memref<10000xi32, #tpu.memory_space<hbm>>
      tpu.enqueue_dma source(%dma_start3A_194 : memref<10000xi32, #tpu.memory_space<hbm>>) target(%arg8 : memref<10000xi32, #tpu.memory_space<vmem>>) target_semaphore(%run_scoped3A_192 : memref<!tpu.dma_semaphore, #tpu.memory_space<semaphore_mem>>)
      %dma_wait3A_195 = tpu.memref_slice %arg3[%mul3A_2] : memref<320000xi32, #tpu.memory_space<hbm>> -> memref<10000xi32, #tpu.memory_space<hbm>>
      %dma_wait3A_196 = tpu.memref_slice %arg3[%mul3A_2] : memref<320000xi32, #tpu.memory_space<hbm>> -> memref<10000xi32, #tpu.memory_space<hbm>>
      tpu.wait_dma2 semaphore(%run_scoped3A_192 : memref<!tpu.dma_semaphore, #tpu.memory_space<semaphore_mem>>) src(%dma_wait3A_196 : memref<10000xi32, #tpu.memory_space<hbm>>) dst(%arg8 : memref<10000xi32, #tpu.memory_space<vmem>>)
      tpu.yield
    }) : () -> ()
    "tpu.region"() ({
      %run_scoped3A_192 = tpu.sem_alloc : memref<!tpu.dma_semaphore, #tpu.memory_space<semaphore_mem>>
      %dma_start3A_193 = tpu.memref_slice %arg4[%mul3A_2] : memref<320000xi32, #tpu.memory_space<hbm>> -> memref<10000xi32, #tpu.memory_space<hbm>>
      %dma_start3A_194 = tpu.memref_slice %arg4[%mul3A_2] : memref<320000xi32, #tpu.memory_space<hbm>> -> memref<10000xi32, #tpu.memory_space<hbm>>
      tpu.enqueue_dma source(%dma_start3A_194 : memref<10000xi32, #tpu.memory_space<hbm>>) target(%arg9 : memref<10000xi32, #tpu.memory_space<vmem>>) target_semaphore(%run_scoped3A_192 : memref<!tpu.dma_semaphore, #tpu.memory_space<semaphore_mem>>)
      %dma_wait3A_195 = tpu.memref_slice %arg4[%mul3A_2] : memref<320000xi32, #tpu.memory_space<hbm>> -> memref<10000xi32, #tpu.memory_space<hbm>>
      %dma_wait3A_196 = tpu.memref_slice %arg4[%mul3A_2] : memref<320000xi32, #tpu.memory_space<hbm>> -> memref<10000xi32, #tpu.memory_space<hbm>>
      tpu.wait_dma2 semaphore(%run_scoped3A_192 : memref<!tpu.dma_semaphore, #tpu.memory_space<semaphore_mem>>) src(%dma_wait3A_196 : memref<10000xi32, #tpu.memory_space<hbm>>) dst(%arg9 : memref<10000xi32, #tpu.memory_space<vmem>>)
      tpu.yield
    }) : () -> ()
    %scan3A = arith.constant 0 : i32
    %scan3A_3 = arith.constant 0 : i32
    %scan3A_4 = arith.constant 625 : i32
    %scan3A_5 = arith.addi %scan3A_3, %scan3A_4 : i32
    %scan3A_6 = arith.constant 1 : i32
    scf.for %scan3A_192 = %scan3A_3 to %scan3A_5 step %scan3A_6  : i32 {
      %broadcast_in_dim3A_193 = arith.constant 0.000000e+00 : f32
      %broadcast_in_dim3A_194 = vector.broadcast %broadcast_in_dim3A_193 : f32 to vector<16xf32>
      %mul3A_195 = arith.constant 16 : i32
      %mul3A_196 = arith.muli %scan3A_192, %mul3A_195 : i32
      %swap3A = arith.index_cast %mul3A_196 : i32 to index
      %swap3A_197 = tpu.vector_load %arg14[%swap3A] {strides = array<i32>} : memref<10000xf32, #tpu.memory_space<vmem>>, vector<16xf32>,
      tpu.vector_store %arg14[%swap3A], %broadcast_in_dim3A_194 {strides = array<i32>} : memref<10000xf32, #tpu.memory_space<vmem>>, vector<16xf32>,
    }
    %scan3A_7 = arith.constant 625 : i32
    %dma_start3A = arith.constant 0 : i32
    %dma_start3A_8 = tpu.memref_slice %arg8[%dma_start3A] : memref<10000xi32, #tpu.memory_space<vmem>> -> memref<80xi32, #tpu.memory_space<vmem>>
    %dma_start3A_9 = arith.constant 0 : i32
    %dma_start3A_10 = arith.constant 0 : i32
    %dma_start3A_11 = tpu.memref_slice %arg2[%dma_start3A_9, %dma_start3A_10] : memref<10000x128xf32, #tpu.memory_space<hbm>> -> memref<10000x128xf32, #tpu.memory_space<hbm>>
    tpu.enqueue_indirect_dma source(%dma_start3A_11 : memref<10000x128xf32, #tpu.memory_space<hbm>>) target(%arg10 : memref<80x128xf32, #tpu.memory_space<vmem>>) offsets(%dma_start3A_8 : memref<80xi32, #tpu.memory_space<vmem>>) semaphore(%arg15 : memref<!tpu.dma_semaphore, #tpu.memory_space<semaphore_mem>>)
    %dma_start3A_12 = arith.constant 0 : i32
    %dma_start3A_13 = tpu.memref_slice %arg9[%dma_start3A_12] : memref<10000xi32, #tpu.memory_space<vmem>> -> memref<80xi32, #tpu.memory_space<vmem>>
    %dma_start3A_14 = arith.constant 0 : i32
    %dma_start3A_15 = arith.constant 0 : i32
    %dma_start3A_16 = tpu.memref_slice %arg2[%dma_start3A_14, %dma_start3A_15] : memref<10000x128xf32, #tpu.memory_space<hbm>> -> memref<10000x128xf32, #tpu.memory_space<hbm>>
    tpu.enqueue_indirect_dma source(%dma_start3A_16 : memref<10000x128xf32, #tpu.memory_space<hbm>>) target(%arg11 : memref<80x128xf32, #tpu.memory_space<vmem>>) offsets(%dma_start3A_13 : memref<80xi32, #tpu.memory_space<vmem>>) semaphore(%arg16 : memref<!tpu.dma_semaphore, #tpu.memory_space<semaphore_mem>>)
    %get3A = arith.constant 0 : index
    %get3A_17 = tpu.vector_load %arg8[%get3A] {strides = array<i32>} : memref<10000xi32, #tpu.memory_space<vmem>>, vector<16xi32>,
    %broadcast_in_dim3A = arith.constant true
    %broadcast_in_dim3A_18 = vector.broadcast %broadcast_in_dim3A : i1 to vector<16xi1>
    %unique3A, %unique3A_19 = tpu.scan_count mask(%broadcast_in_dim3A_18 : vector<16xi1>) value(%get3A_17 : vector<16xi32>) : vector<16xi1>, vector<16xi32>
    %convert_element_type3A = arith.sitofp %unique3A_19 : vector<16xi32> to vector<16xf32>
    tpu.vector_store_idx %arg14[%get3A_17], %convert_element_type3A masked %unique3A {add = true} : memref<10000xf32, #tpu.memory_space<vmem>>[vector<16xi32>], vector<16xf32>, vector<16xi1>
    %get3A_20 = arith.constant 16 : index
    %get3A_21 = tpu.vector_load %arg8[%get3A_20] {strides = array<i32>} : memref<10000xi32, #tpu.memory_space<vmem>>, vector<16xi32>,
    %broadcast_in_dim3A_22 = arith.constant true
    %broadcast_in_dim3A_23 = vector.broadcast %broadcast_in_dim3A_22 : i1 to vector<16xi1>
    %unique3A_24, %unique3A_25 = tpu.scan_count mask(%broadcast_in_dim3A_23 : vector<16xi1>) value(%get3A_21 : vector<16xi32>) : vector<16xi1>, vector<16xi32>
    %convert_element_type3A_26 = arith.sitofp %unique3A_25 : vector<16xi32> to vector<16xf32>
    tpu.vector_store_idx %arg14[%get3A_21], %convert_element_type3A_26 masked %unique3A_24 {add = true} : memref<10000xf32, #tpu.memory_space<vmem>>[vector<16xi32>], vector<16xf32>, vector<16xi1>
    %get3A_27 = arith.constant 32 : index
    %get3A_28 = tpu.vector_load %arg8[%get3A_27] {strides = array<i32>} : memref<10000xi32, #tpu.memory_space<vmem>>, vector<16xi32>,
    %broadcast_in_dim3A_29 = arith.constant true
    %broadcast_in_dim3A_30 = vector.broadcast %broadcast_in_dim3A_29 : i1 to vector<16xi1>
    %unique3A_31, %unique3A_32 = tpu.scan_count mask(%broadcast_in_dim3A_30 : vector<16xi1>) value(%get3A_28 : vector<16xi32>) : vector<16xi1>, vector<16xi32>
    %convert_element_type3A_33 = arith.sitofp %unique3A_32 : vector<16xi32> to vector<16xf32>
    tpu.vector_store_idx %arg14[%get3A_28], %convert_element_type3A_33 masked %unique3A_31 {add = true} : memref<10000xf32, #tpu.memory_space<vmem>>[vector<16xi32>], vector<16xf32>, vector<16xi1>
    %get3A_34 = arith.constant 48 : index
    %get3A_35 = tpu.vector_load %arg8[%get3A_34] {strides = array<i32>} : memref<10000xi32, #tpu.memory_space<vmem>>, vector<16xi32>,
    %broadcast_in_dim3A_36 = arith.constant true
    %broadcast_in_dim3A_37 = vector.broadcast %broadcast_in_dim3A_36 : i1 to vector<16xi1>
    %unique3A_38, %unique3A_39 = tpu.scan_count mask(%broadcast_in_dim3A_37 : vector<16xi1>) value(%get3A_35 : vector<16xi32>) : vector<16xi1>, vector<16xi32>
    %convert_element_type3A_40 = arith.sitofp %unique3A_39 : vector<16xi32> to vector<16xf32>
    tpu.vector_store_idx %arg14[%get3A_35], %convert_element_type3A_40 masked %unique3A_38 {add = true} : memref<10000xf32, #tpu.memory_space<vmem>>[vector<16xi32>], vector<16xf32>, vector<16xi1>
    %get3A_41 = arith.constant 64 : index
    %get3A_42 = tpu.vector_load %arg8[%get3A_41] {strides = array<i32>} : memref<10000xi32, #tpu.memory_space<vmem>>, vector<16xi32>,
    %broadcast_in_dim3A_43 = arith.constant true
    %broadcast_in_dim3A_44 = vector.broadcast %broadcast_in_dim3A_43 : i1 to vector<16xi1>
    %unique3A_45, %unique3A_46 = tpu.scan_count mask(%broadcast_in_dim3A_44 : vector<16xi1>) value(%get3A_42 : vector<16xi32>) : vector<16xi1>, vector<16xi32>
    %convert_element_type3A_47 = arith.sitofp %unique3A_46 : vector<16xi32> to vector<16xf32>
    tpu.vector_store_idx %arg14[%get3A_42], %convert_element_type3A_47 masked %unique3A_45 {add = true} : memref<10000xf32, #tpu.memory_space<vmem>>[vector<16xi32>], vector<16xf32>, vector<16xi1>
    %get3A_48 = arith.constant 0 : index
    %get3A_49 = tpu.vector_load %arg9[%get3A_48] {strides = array<i32>} : memref<10000xi32, #tpu.memory_space<vmem>>, vector<16xi32>,
    %broadcast_in_dim3A_50 = arith.constant true
    %broadcast_in_dim3A_51 = vector.broadcast %broadcast_in_dim3A_50 : i1 to vector<16xi1>
    %unique3A_52, %unique3A_53 = tpu.scan_count mask(%broadcast_in_dim3A_51 : vector<16xi1>) value(%get3A_49 : vector<16xi32>) : vector<16xi1>, vector<16xi32>
    %convert_element_type3A_54 = arith.sitofp %unique3A_53 : vector<16xi32> to vector<16xf32>
    tpu.vector_store_idx %arg14[%get3A_49], %convert_element_type3A_54 masked %unique3A_52 {add = true} : memref<10000xf32, #tpu.memory_space<vmem>>[vector<16xi32>], vector<16xf32>, vector<16xi1>
    %get3A_55 = arith.constant 16 : index
    %get3A_56 = tpu.vector_load %arg9[%get3A_55] {strides = array<i32>} : memref<10000xi32, #tpu.memory_space<vmem>>, vector<16xi32>,
    %broadcast_in_dim3A_57 = arith.constant true
    %broadcast_in_dim3A_58 = vector.broadcast %broadcast_in_dim3A_57 : i1 to vector<16xi1>
    %unique3A_59, %unique3A_60 = tpu.scan_count mask(%broadcast_in_dim3A_58 : vector<16xi1>) value(%get3A_56 : vector<16xi32>) : vector<16xi1>, vector<16xi32>
    %convert_element_type3A_61 = arith.sitofp %unique3A_60 : vector<16xi32> to vector<16xf32>
    tpu.vector_store_idx %arg14[%get3A_56], %convert_element_type3A_61 masked %unique3A_59 {add = true} : memref<10000xf32, #tpu.memory_space<vmem>>[vector<16xi32>], vector<16xf32>, vector<16xi1>
    %get3A_62 = arith.constant 32 : index
    %get3A_63 = tpu.vector_load %arg9[%get3A_62] {strides = array<i32>} : memref<10000xi32, #tpu.memory_space<vmem>>, vector<16xi32>,
    %broadcast_in_dim3A_64 = arith.constant true
    %broadcast_in_dim3A_65 = vector.broadcast %broadcast_in_dim3A_64 : i1 to vector<16xi1>
    %unique3A_66, %unique3A_67 = tpu.scan_count mask(%broadcast_in_dim3A_65 : vector<16xi1>) value(%get3A_63 : vector<16xi32>) : vector<16xi1>, vector<16xi32>
    %convert_element_type3A_68 = arith.sitofp %unique3A_67 : vector<16xi32> to vector<16xf32>
    tpu.vector_store_idx %arg14[%get3A_63], %convert_element_type3A_68 masked %unique3A_66 {add = true} : memref<10000xf32, #tpu.memory_space<vmem>>[vector<16xi32>], vector<16xf32>, vector<16xi1>
    %get3A_69 = arith.constant 48 : index
    %get3A_70 = tpu.vector_load %arg9[%get3A_69] {strides = array<i32>} : memref<10000xi32, #tpu.memory_space<vmem>>, vector<16xi32>,
    %broadcast_in_dim3A_71 = arith.constant true
    %broadcast_in_dim3A_72 = vector.broadcast %broadcast_in_dim3A_71 : i1 to vector<16xi1>
    %unique3A_73, %unique3A_74 = tpu.scan_count mask(%broadcast_in_dim3A_72 : vector<16xi1>) value(%get3A_70 : vector<16xi32>) : vector<16xi1>, vector<16xi32>
    %convert_element_type3A_75 = arith.sitofp %unique3A_74 : vector<16xi32> to vector<16xf32>
    tpu.vector_store_idx %arg14[%get3A_70], %convert_element_type3A_75 masked %unique3A_73 {add = true} : memref<10000xf32, #tpu.memory_space<vmem>>[vector<16xi32>], vector<16xf32>, vector<16xi1>
    %get3A_76 = arith.constant 64 : index
    %get3A_77 = tpu.vector_load %arg9[%get3A_76] {strides = array<i32>} : memref<10000xi32, #tpu.memory_space<vmem>>, vector<16xi32>,
    %broadcast_in_dim3A_78 = arith.constant true
    %broadcast_in_dim3A_79 = vector.broadcast %broadcast_in_dim3A_78 : i1 to vector<16xi1>
    %unique3A_80, %unique3A_81 = tpu.scan_count mask(%broadcast_in_dim3A_79 : vector<16xi1>) value(%get3A_77 : vector<16xi32>) : vector<16xi1>, vector<16xi32>
    %convert_element_type3A_82 = arith.sitofp %unique3A_81 : vector<16xi32> to vector<16xf32>
    tpu.vector_store_idx %arg14[%get3A_77], %convert_element_type3A_82 masked %unique3A_80 {add = true} : memref<10000xf32, #tpu.memory_space<vmem>>[vector<16xi32>], vector<16xf32>, vector<16xi1>
    %dma_start3A_83 = arith.constant 80 : i32
    %dma_start3A_84 = tpu.memref_slice %arg8[%dma_start3A_83] : memref<10000xi32, #tpu.memory_space<vmem>> -> memref<80xi32, #tpu.memory_space<vmem>>
    %dma_start3A_85 = arith.constant 0 : i32
    %dma_start3A_86 = arith.constant 0 : i32
    %dma_start3A_87 = tpu.memref_slice %arg2[%dma_start3A_85, %dma_start3A_86] : memref<10000x128xf32, #tpu.memory_space<hbm>> -> memref<10000x128xf32, #tpu.memory_space<hbm>>
    tpu.enqueue_indirect_dma source(%dma_start3A_87 : memref<10000x128xf32, #tpu.memory_space<hbm>>) target(%arg12 : memref<80x128xf32, #tpu.memory_space<vmem>>) offsets(%dma_start3A_84 : memref<80xi32, #tpu.memory_space<vmem>>) semaphore(%arg17 : memref<!tpu.dma_semaphore, #tpu.memory_space<semaphore_mem>>)
    %dma_start3A_88 = arith.constant 80 : i32
    %dma_start3A_89 = tpu.memref_slice %arg9[%dma_start3A_88] : memref<10000xi32, #tpu.memory_space<vmem>> -> memref<80xi32, #tpu.memory_space<vmem>>
    %dma_start3A_90 = arith.constant 0 : i32
    %dma_start3A_91 = arith.constant 0 : i32
    %dma_start3A_92 = tpu.memref_slice %arg2[%dma_start3A_90, %dma_start3A_91] : memref<10000x128xf32, #tpu.memory_space<hbm>> -> memref<10000x128xf32, #tpu.memory_space<hbm>>
    tpu.enqueue_indirect_dma source(%dma_start3A_92 : memref<10000x128xf32, #tpu.memory_space<hbm>>) target(%arg13 : memref<80x128xf32, #tpu.memory_space<vmem>>) offsets(%dma_start3A_89 : memref<80xi32, #tpu.memory_space<vmem>>) semaphore(%arg18 : memref<!tpu.dma_semaphore, #tpu.memory_space<semaphore_mem>>)
    %get3A_93 = arith.constant 80 : index
    %get3A_94 = tpu.vector_load %arg8[%get3A_93] {strides = array<i32>} : memref<10000xi32, #tpu.memory_space<vmem>>, vector<16xi32>,
    %broadcast_in_dim3A_95 = arith.constant true
    %broadcast_in_dim3A_96 = vector.broadcast %broadcast_in_dim3A_95 : i1 to vector<16xi1>
    %unique3A_97, %unique3A_98 = tpu.scan_count mask(%broadcast_in_dim3A_96 : vector<16xi1>) value(%get3A_94 : vector<16xi32>) : vector<16xi1>, vector<16xi32>
    %convert_element_type3A_99 = arith.sitofp %unique3A_98 : vector<16xi32> to vector<16xf32>
    tpu.vector_store_idx %arg14[%get3A_94], %convert_element_type3A_99 masked %unique3A_97 {add = true} : memref<10000xf32, #tpu.memory_space<vmem>>[vector<16xi32>], vector<16xf32>, vector<16xi1>
    %get3A_100 = arith.constant 96 : index
    %get3A_101 = tpu.vector_load %arg8[%get3A_100] {strides = array<i32>} : memref<10000xi32, #tpu.memory_space<vmem>>, vector<16xi32>,
    %broadcast_in_dim3A_102 = arith.constant true
    %broadcast_in_dim3A_103 = vector.broadcast %broadcast_in_dim3A_102 : i1 to vector<16xi1>
    %unique3A_104, %unique3A_105 = tpu.scan_count mask(%broadcast_in_dim3A_103 : vector<16xi1>) value(%get3A_101 : vector<16xi32>) : vector<16xi1>, vector<16xi32>
    %convert_element_type3A_106 = arith.sitofp %unique3A_105 : vector<16xi32> to vector<16xf32>
    tpu.vector_store_idx %arg14[%get3A_101], %convert_element_type3A_106 masked %unique3A_104 {add = true} : memref<10000xf32, #tpu.memory_space<vmem>>[vector<16xi32>], vector<16xf32>, vector<16xi1>
    %get3A_107 = arith.constant 112 : index
    %get3A_108 = tpu.vector_load %arg8[%get3A_107] {strides = array<i32>} : memref<10000xi32, #tpu.memory_space<vmem>>, vector<16xi32>,
    %broadcast_in_dim3A_109 = arith.constant true
    %broadcast_in_dim3A_110 = vector.broadcast %broadcast_in_dim3A_109 : i1 to vector<16xi1>
    %unique3A_111, %unique3A_112 = tpu.scan_count mask(%broadcast_in_dim3A_110 : vector<16xi1>) value(%get3A_108 : vector<16xi32>) : vector<16xi1>, vector<16xi32>
    %convert_element_type3A_113 = arith.sitofp %unique3A_112 : vector<16xi32> to vector<16xf32>
    tpu.vector_store_idx %arg14[%get3A_108], %convert_element_type3A_113 masked %unique3A_111 {add = true} : memref<10000xf32, #tpu.memory_space<vmem>>[vector<16xi32>], vector<16xf32>, vector<16xi1>
    %get3A_114 = arith.constant 128 : index
    %get3A_115 = tpu.vector_load %arg8[%get3A_114] {strides = array<i32>} : memref<10000xi32, #tpu.memory_space<vmem>>, vector<16xi32>,
    %broadcast_in_dim3A_116 = arith.constant true
    %broadcast_in_dim3A_117 = vector.broadcast %broadcast_in_dim3A_116 : i1 to vector<16xi1>
    %unique3A_118, %unique3A_119 = tpu.scan_count mask(%broadcast_in_dim3A_117 : vector<16xi1>) value(%get3A_115 : vector<16xi32>) : vector<16xi1>, vector<16xi32>
    %convert_element_type3A_120 = arith.sitofp %unique3A_119 : vector<16xi32> to vector<16xf32>
    tpu.vector_store_idx %arg14[%get3A_115], %convert_element_type3A_120 masked %unique3A_118 {add = true} : memref<10000xf32, #tpu.memory_space<vmem>>[vector<16xi32>], vector<16xf32>, vector<16xi1>
    %get3A_121 = arith.constant 144 : index
    %get3A_122 = tpu.vector_load %arg8[%get3A_121] {strides = array<i32>} : memref<10000xi32, #tpu.memory_space<vmem>>, vector<16xi32>,
    %broadcast_in_dim3A_123 = arith.constant true
    %broadcast_in_dim3A_124 = vector.broadcast %broadcast_in_dim3A_123 : i1 to vector<16xi1>
    %unique3A_125, %unique3A_126 = tpu.scan_count mask(%broadcast_in_dim3A_124 : vector<16xi1>) value(%get3A_122 : vector<16xi32>) : vector<16xi1>, vector<16xi32>
    %convert_element_type3A_127 = arith.sitofp %unique3A_126 : vector<16xi32> to vector<16xf32>
    tpu.vector_store_idx %arg14[%get3A_122], %convert_element_type3A_127 masked %unique3A_125 {add = true} : memref<10000xf32, #tpu.memory_space<vmem>>[vector<16xi32>], vector<16xf32>, vector<16xi1>
    %get3A_128 = arith.constant 80 : index
    %get3A_129 = tpu.vector_load %arg9[%get3A_128] {strides = array<i32>} : memref<10000xi32, #tpu.memory_space<vmem>>, vector<16xi32>,
    %broadcast_in_dim3A_130 = arith.constant true
    %broadcast_in_dim3A_131 = vector.broadcast %broadcast_in_dim3A_130 : i1 to vector<16xi1>
    %unique3A_132, %unique3A_133 = tpu.scan_count mask(%broadcast_in_dim3A_131 : vector<16xi1>) value(%get3A_129 : vector<16xi32>) : vector<16xi1>, vector<16xi32>
    %convert_element_type3A_134 = arith.sitofp %unique3A_133 : vector<16xi32> to vector<16xf32>
    tpu.vector_store_idx %arg14[%get3A_129], %convert_element_type3A_134 masked %unique3A_132 {add = true} : memref<10000xf32, #tpu.memory_space<vmem>>[vector<16xi32>], vector<16xf32>, vector<16xi1>
    %get3A_135 = arith.constant 96 : index
    %get3A_136 = tpu.vector_load %arg9[%get3A_135] {strides = array<i32>} : memref<10000xi32, #tpu.memory_space<vmem>>, vector<16xi32>,
    %broadcast_in_dim3A_137 = arith.constant true
    %broadcast_in_dim3A_138 = vector.broadcast %broadcast_in_dim3A_137 : i1 to vector<16xi1>
    %unique3A_139, %unique3A_140 = tpu.scan_count mask(%broadcast_in_dim3A_138 : vector<16xi1>) value(%get3A_136 : vector<16xi32>) : vector<16xi1>, vector<16xi32>
    %convert_element_type3A_141 = arith.sitofp %unique3A_140 : vector<16xi32> to vector<16xf32>
    tpu.vector_store_idx %arg14[%get3A_136], %convert_element_type3A_141 masked %unique3A_139 {add = true} : memref<10000xf32, #tpu.memory_space<vmem>>[vector<16xi32>], vector<16xf32>, vector<16xi1>
    %get3A_142 = arith.constant 112 : index
    %get3A_143 = tpu.vector_load %arg9[%get3A_142] {strides = array<i32>} : memref<10000xi32, #tpu.memory_space<vmem>>, vector<16xi32>,
    %broadcast_in_dim3A_144 = arith.constant true
    %broadcast_in_dim3A_145 = vector.broadcast %broadcast_in_dim3A_144 : i1 to vector<16xi1>
    %unique3A_146, %unique3A_147 = tpu.scan_count mask(%broadcast_in_dim3A_145 : vector<16xi1>) value(%get3A_143 : vector<16xi32>) : vector<16xi1>, vector<16xi32>
    %convert_element_type3A_148 = arith.sitofp %unique3A_147 : vector<16xi32> to vector<16xf32>
    tpu.vector_store_idx %arg14[%get3A_143], %convert_element_type3A_148 masked %unique3A_146 {add = true} : memref<10000xf32, #tpu.memory_space<vmem>>[vector<16xi32>], vector<16xf32>, vector<16xi1>
    %get3A_149 = arith.constant 128 : index
    %get3A_150 = tpu.vector_load %arg9[%get3A_149] {strides = array<i32>} : memref<10000xi32, #tpu.memory_space<vmem>>, vector<16xi32>,
    %broadcast_in_dim3A_151 = arith.constant true
    %broadcast_in_dim3A_152 = vector.broadcast %broadcast_in_dim3A_151 : i1 to vector<16xi1>
    %unique3A_153, %unique3A_154 = tpu.scan_count mask(%broadcast_in_dim3A_152 : vector<16xi1>) value(%get3A_150 : vector<16xi32>) : vector<16xi1>, vector<16xi32>
    %convert_element_type3A_155 = arith.sitofp %unique3A_154 : vector<16xi32> to vector<16xf32>
    tpu.vector_store_idx %arg14[%get3A_150], %convert_element_type3A_155 masked %unique3A_153 {add = true} : memref<10000xf32, #tpu.memory_space<vmem>>[vector<16xi32>], vector<16xf32>, vector<16xi1>
    %get3A_156 = arith.constant 144 : index
    %get3A_157 = tpu.vector_load %arg9[%get3A_156] {strides = array<i32>} : memref<10000xi32, #tpu.memory_space<vmem>>, vector<16xi32>,
    %broadcast_in_dim3A_158 = arith.constant true
    %broadcast_in_dim3A_159 = vector.broadcast %broadcast_in_dim3A_158 : i1 to vector<16xi1>
    %unique3A_160, %unique3A_161 = tpu.scan_count mask(%broadcast_in_dim3A_159 : vector<16xi1>) value(%get3A_157 : vector<16xi32>) : vector<16xi1>, vector<16xi32>
    %convert_element_type3A_162 = arith.sitofp %unique3A_161 : vector<16xi32> to vector<16xf32>
    tpu.vector_store_idx %arg14[%get3A_157], %convert_element_type3A_162 masked %unique3A_160 {add = true} : memref<10000xf32, #tpu.memory_space<vmem>>[vector<16xi32>], vector<16xf32>, vector<16xi1>
    %scan3A_163 = arith.constant 0 : i32
    %scan3A_164 = arith.constant 0 : i32
    %scan3A_165 = arith.constant 63 : i32
    %scan3A_166 = arith.addi %scan3A_164, %scan3A_165 : i32
    %scan3A_167 = arith.constant 1 : i32
    scf.for %scan3A_192 = %scan3A_164 to %scan3A_166 step %scan3A_167  : i32 {
      %mul3A_193 = arith.constant 2 : i32
      %mul3A_194 = arith.muli %mul3A_193, %scan3A_192 : i32
      %mul3A_195 = arith.constant 80 : i32
      %mul3A_196 = arith.muli %mul3A_194, %mul3A_195 : i32
      %dma_wait3A_197 = tpu.memref_slice %arg8[%mul3A_196] : memref<10000xi32, #tpu.memory_space<vmem>> -> memref<80xi32, #tpu.memory_space<vmem>>
      %dma_wait3A_198 = arith.constant 0 : i32
      %dma_wait3A_199 = arith.constant 0 : i32
      %dma_wait3A_200 = tpu.memref_slice %arg2[%dma_wait3A_198, %dma_wait3A_199] : memref<10000x128xf32, #tpu.memory_space<hbm>> -> memref<10000x128xf32, #tpu.memory_space<hbm>>
      tpu.wait_indirect_dma semaphore(%arg15 : memref<!tpu.dma_semaphore, #tpu.memory_space<semaphore_mem>>) src(%dma_wait3A_200 : memref<10000x128xf32, #tpu.memory_space<hbm>>) dst(%arg10 : memref<80x128xf32, #tpu.memory_space<vmem>>)
      %dma_wait3A_201 = tpu.memref_slice %arg9[%mul3A_196] : memref<10000xi32, #tpu.memory_space<vmem>> -> memref<80xi32, #tpu.memory_space<vmem>>
      %dma_wait3A_202 = arith.constant 0 : i32
      %dma_wait3A_203 = arith.constant 0 : i32
      %dma_wait3A_204 = tpu.memref_slice %arg2[%dma_wait3A_202, %dma_wait3A_203] : memref<10000x128xf32, #tpu.memory_space<hbm>> -> memref<10000x128xf32, #tpu.memory_space<hbm>>
      tpu.wait_indirect_dma semaphore(%arg16 : memref<!tpu.dma_semaphore, #tpu.memory_space<semaphore_mem>>) src(%dma_wait3A_204 : memref<10000x128xf32, #tpu.memory_space<hbm>>) dst(%arg11 : memref<80x128xf32, #tpu.memory_space<vmem>>)
      %add3A_205 = arith.addi %mul3A_2, %mul3A_196 : i32
      %dma_start3A_206 = arith.constant 0 : i32
      %dma_start3A_207 = tpu.memref_slice %arg5[%add3A_205, %dma_start3A_206] : memref<320000x128xf32, #tpu.memory_space<hbm>> -> memref<80x128xf32, #tpu.memory_space<hbm>>
      %dma_start3A_208 = arith.constant 0 : i32
      %dma_start3A_209 = tpu.memref_slice %arg5[%add3A_205, %dma_start3A_208] : memref<320000x128xf32, #tpu.memory_space<hbm>> -> memref<80x128xf32, #tpu.memory_space<hbm>>
      tpu.enqueue_dma source(%arg10 : memref<80x128xf32, #tpu.memory_space<vmem>>) target(%dma_start3A_209 : memref<80x128xf32, #tpu.memory_space<hbm>>) target_semaphore(%arg19 : memref<!tpu.dma_semaphore, #tpu.memory_space<semaphore_mem>>)
      %add3A_210 = arith.addi %mul3A_2, %mul3A_196 : i32
      %dma_start3A_211 = arith.constant 0 : i32
      %dma_start3A_212 = tpu.memref_slice %arg6[%add3A_210, %dma_start3A_211] : memref<320000x128xf32, #tpu.memory_space<hbm>> -> memref<80x128xf32, #tpu.memory_space<hbm>>
      %dma_start3A_213 = arith.constant 0 : i32
      %dma_start3A_214 = tpu.memref_slice %arg6[%add3A_210, %dma_start3A_213] : memref<320000x128xf32, #tpu.memory_space<hbm>> -> memref<80x128xf32, #tpu.memory_space<hbm>>
      tpu.enqueue_dma source(%arg11 : memref<80x128xf32, #tpu.memory_space<vmem>>) target(%dma_start3A_214 : memref<80x128xf32, #tpu.memory_space<hbm>>) target_semaphore(%arg20 : memref<!tpu.dma_semaphore, #tpu.memory_space<semaphore_mem>>)
      %add3A_215 = arith.constant 1 : i32
      %add3A_216 = arith.addi %mul3A_194, %add3A_215 : i32
      %lt3A = arith.constant 125 : i32
      %lt3A_217 = arith.cmpi slt, %add3A_216, %lt3A : i32
      %convert_element_type3A_218 = arith.extui %lt3A_217 : i1 to i32
      %cond3A = arith.constant 0 : i32
      %cond3A_219 = arith.cmpi ne, %convert_element_type3A_218, %cond3A : i32
      scf.if %cond3A_219 {
        %add3A_234 = arith.constant 1 : i32
        %add3A_235 = arith.addi %mul3A_194, %add3A_234 : i32
        %mul3A_236 = arith.constant 80 : i32
        %mul3A_237 = arith.muli %add3A_235, %mul3A_236 : i32
        %dma_wait3A_238 = tpu.memref_slice %arg8[%mul3A_237] : memref<10000xi32, #tpu.memory_space<vmem>> -> memref<80xi32, #tpu.memory_space<vmem>>
        %dma_wait3A_239 = arith.constant 0 : i32
        %dma_wait3A_240 = arith.constant 0 : i32
        %dma_wait3A_241 = tpu.memref_slice %arg2[%dma_wait3A_239, %dma_wait3A_240] : memref<10000x128xf32, #tpu.memory_space<hbm>> -> memref<10000x128xf32, #tpu.memory_space<hbm>>
        tpu.wait_indirect_dma semaphore(%arg17 : memref<!tpu.dma_semaphore, #tpu.memory_space<semaphore_mem>>) src(%dma_wait3A_241 : memref<10000x128xf32, #tpu.memory_space<hbm>>) dst(%arg12 : memref<80x128xf32, #tpu.memory_space<vmem>>)
        %dma_wait3A_242 = tpu.memref_slice %arg9[%mul3A_237] : memref<10000xi32, #tpu.memory_space<vmem>> -> memref<80xi32, #tpu.memory_space<vmem>>
        %dma_wait3A_243 = arith.constant 0 : i32
        %dma_wait3A_244 = arith.constant 0 : i32
        %dma_wait3A_245 = tpu.memref_slice %arg2[%dma_wait3A_243, %dma_wait3A_244] : memref<10000x128xf32, #tpu.memory_space<hbm>> -> memref<10000x128xf32, #tpu.memory_space<hbm>>
        tpu.wait_indirect_dma semaphore(%arg18 : memref<!tpu.dma_semaphore, #tpu.memory_space<semaphore_mem>>) src(%dma_wait3A_245 : memref<10000x128xf32, #tpu.memory_space<hbm>>) dst(%arg13 : memref<80x128xf32, #tpu.memory_space<vmem>>)
        %add3A_246 = arith.addi %mul3A_2, %mul3A_237 : i32
        %dma_start3A_247 = arith.constant 0 : i32
        %dma_start3A_248 = tpu.memref_slice %arg5[%add3A_246, %dma_start3A_247] : memref<320000x128xf32, #tpu.memory_space<hbm>> -> memref<80x128xf32, #tpu.memory_space<hbm>>
        %dma_start3A_249 = arith.constant 0 : i32
        %dma_start3A_250 = tpu.memref_slice %arg5[%add3A_246, %dma_start3A_249] : memref<320000x128xf32, #tpu.memory_space<hbm>> -> memref<80x128xf32, #tpu.memory_space<hbm>>
        tpu.enqueue_dma source(%arg12 : memref<80x128xf32, #tpu.memory_space<vmem>>) target(%dma_start3A_250 : memref<80x128xf32, #tpu.memory_space<hbm>>) target_semaphore(%arg21 : memref<!tpu.dma_semaphore, #tpu.memory_space<semaphore_mem>>)
        %add3A_251 = arith.addi %mul3A_2, %mul3A_237 : i32
        %dma_start3A_252 = arith.constant 0 : i32
        %dma_start3A_253 = tpu.memref_slice %arg6[%add3A_251, %dma_start3A_252] : memref<320000x128xf32, #tpu.memory_space<hbm>> -> memref<80x128xf32, #tpu.memory_space<hbm>>
        %dma_start3A_254 = arith.constant 0 : i32
        %dma_start3A_255 = tpu.memref_slice %arg6[%add3A_251, %dma_start3A_254] : memref<320000x128xf32, #tpu.memory_space<hbm>> -> memref<80x128xf32, #tpu.memory_space<hbm>>
        tpu.enqueue_dma source(%arg13 : memref<80x128xf32, #tpu.memory_space<vmem>>) target(%dma_start3A_255 : memref<80x128xf32, #tpu.memory_space<hbm>>) target_semaphore(%arg22 : memref<!tpu.dma_semaphore, #tpu.memory_space<semaphore_mem>>)
      } else {
      }
      %add3A_220 = arith.constant 2 : i32
      %add3A_221 = arith.addi %mul3A_194, %add3A_220 : i32
      %lt3A_222 = arith.constant 125 : i32
      %lt3A_223 = arith.cmpi slt, %add3A_221, %lt3A_222 : i32
      %convert_element_type3A_224 = arith.extui %lt3A_223 : i1 to i32
      %cond3A_225 = arith.constant 0 : i32
      %cond3A_226 = arith.cmpi ne, %convert_element_type3A_224, %cond3A_225 : i32
      scf.if %cond3A_226 {
        %mul3A_234 = arith.constant 80 : i32
        %mul3A_235 = arith.muli %mul3A_194, %mul3A_234 : i32
        %add3A_236 = arith.addi %mul3A_2, %mul3A_235 : i32
        %dma_wait3A_237 = arith.constant 0 : i32
        %dma_wait3A_238 = tpu.memref_slice %arg5[%add3A_236, %dma_wait3A_237] : memref<320000x128xf32, #tpu.memory_space<hbm>> -> memref<80x128xf32, #tpu.memory_space<hbm>>
        %dma_wait3A_239 = arith.constant 0 : i32
        %dma_wait3A_240 = tpu.memref_slice %arg5[%add3A_236, %dma_wait3A_239] : memref<320000x128xf32, #tpu.memory_space<hbm>> -> memref<80x128xf32, #tpu.memory_space<hbm>>
        tpu.wait_dma2 semaphore(%arg19 : memref<!tpu.dma_semaphore, #tpu.memory_space<semaphore_mem>>) src(%arg10 : memref<80x128xf32, #tpu.memory_space<vmem>>) dst(%dma_wait3A_240 : memref<80x128xf32, #tpu.memory_space<hbm>>)
        %add3A_241 = arith.addi %mul3A_2, %mul3A_235 : i32
        %dma_wait3A_242 = arith.constant 0 : i32
        %dma_wait3A_243 = tpu.memref_slice %arg6[%add3A_241, %dma_wait3A_242] : memref<320000x128xf32, #tpu.memory_space<hbm>> -> memref<80x128xf32, #tpu.memory_space<hbm>>
        %dma_wait3A_244 = arith.constant 0 : i32
        %dma_wait3A_245 = tpu.memref_slice %arg6[%add3A_241, %dma_wait3A_244] : memref<320000x128xf32, #tpu.memory_space<hbm>> -> memref<80x128xf32, #tpu.memory_space<hbm>>
        tpu.wait_dma2 semaphore(%arg20 : memref<!tpu.dma_semaphore, #tpu.memory_space<semaphore_mem>>) src(%arg11 : memref<80x128xf32, #tpu.memory_space<vmem>>) dst(%dma_wait3A_245 : memref<80x128xf32, #tpu.memory_space<hbm>>)
        %add3A_246 = arith.constant 2 : i32
        %add3A_247 = arith.addi %mul3A_194, %add3A_246 : i32
        %mul3A_248 = arith.constant 80 : i32
        %mul3A_249 = arith.muli %add3A_247, %mul3A_248 : i32
        %dma_start3A_250 = tpu.memref_slice %arg8[%mul3A_249] : memref<10000xi32, #tpu.memory_space<vmem>> -> memref<80xi32, #tpu.memory_space<vmem>>
        %dma_start3A_251 = arith.constant 0 : i32
        %dma_start3A_252 = arith.constant 0 : i32
        %dma_start3A_253 = tpu.memref_slice %arg2[%dma_start3A_251, %dma_start3A_252] : memref<10000x128xf32, #tpu.memory_space<hbm>> -> memref<10000x128xf32, #tpu.memory_space<hbm>>
        tpu.enqueue_indirect_dma source(%dma_start3A_253 : memref<10000x128xf32, #tpu.memory_space<hbm>>) target(%arg10 : memref<80x128xf32, #tpu.memory_space<vmem>>) offsets(%dma_start3A_250 : memref<80xi32, #tpu.memory_space<vmem>>) semaphore(%arg15 : memref<!tpu.dma_semaphore, #tpu.memory_space<semaphore_mem>>)
        %dma_start3A_254 = tpu.memref_slice %arg9[%mul3A_249] : memref<10000xi32, #tpu.memory_space<vmem>> -> memref<80xi32, #tpu.memory_space<vmem>>
        %dma_start3A_255 = arith.constant 0 : i32
        %dma_start3A_256 = arith.constant 0 : i32
        %dma_start3A_257 = tpu.memref_slice %arg2[%dma_start3A_255, %dma_start3A_256] : memref<10000x128xf32, #tpu.memory_space<hbm>> -> memref<10000x128xf32, #tpu.memory_space<hbm>>
        tpu.enqueue_indirect_dma source(%dma_start3A_257 : memref<10000x128xf32, #tpu.memory_space<hbm>>) target(%arg11 : memref<80x128xf32, #tpu.memory_space<vmem>>) offsets(%dma_start3A_254 : memref<80xi32, #tpu.memory_space<vmem>>) semaphore(%arg16 : memref<!tpu.dma_semaphore, #tpu.memory_space<semaphore_mem>>)
        %add3A_258 = arith.constant 0 : i32
        %add3A_259 = arith.addi %mul3A_249, %add3A_258 : i32
        %get3A_260 = arith.index_cast %add3A_259 : i32 to index
        %get3A_261 = tpu.vector_load %arg8[%get3A_260] {strides = array<i32>} : memref<10000xi32, #tpu.memory_space<vmem>>, vector<16xi32>,
        %broadcast_in_dim3A_262 = arith.constant true
        %broadcast_in_dim3A_263 = vector.broadcast %broadcast_in_dim3A_262 : i1 to vector<16xi1>
        %unique3A_264, %unique3A_265 = tpu.scan_count mask(%broadcast_in_dim3A_263 : vector<16xi1>) value(%get3A_261 : vector<16xi32>) : vector<16xi1>, vector<16xi32>
        %convert_element_type3A_266 = arith.sitofp %unique3A_265 : vector<16xi32> to vector<16xf32>
        tpu.vector_store_idx %arg14[%get3A_261], %convert_element_type3A_266 masked %unique3A_264 {add = true} : memref<10000xf32, #tpu.memory_space<vmem>>[vector<16xi32>], vector<16xf32>, vector<16xi1>
        %add3A_267 = arith.constant 16 : i32
        %add3A_268 = arith.addi %mul3A_249, %add3A_267 : i32
        %get3A_269 = arith.index_cast %add3A_268 : i32 to index
        %get3A_270 = tpu.vector_load %arg8[%get3A_269] {strides = array<i32>} : memref<10000xi32, #tpu.memory_space<vmem>>, vector<16xi32>,
        %broadcast_in_dim3A_271 = arith.constant true
        %broadcast_in_dim3A_272 = vector.broadcast %broadcast_in_dim3A_271 : i1 to vector<16xi1>
        %unique3A_273, %unique3A_274 = tpu.scan_count mask(%broadcast_in_dim3A_272 : vector<16xi1>) value(%get3A_270 : vector<16xi32>) : vector<16xi1>, vector<16xi32>
        %convert_element_type3A_275 = arith.sitofp %unique3A_274 : vector<16xi32> to vector<16xf32>
        tpu.vector_store_idx %arg14[%get3A_270], %convert_element_type3A_275 masked %unique3A_273 {add = true} : memref<10000xf32, #tpu.memory_space<vmem>>[vector<16xi32>], vector<16xf32>, vector<16xi1>
        %add3A_276 = arith.constant 32 : i32
        %add3A_277 = arith.addi %mul3A_249, %add3A_276 : i32
        %get3A_278 = arith.index_cast %add3A_277 : i32 to index
        %get3A_279 = tpu.vector_load %arg8[%get3A_278] {strides = array<i32>} : memref<10000xi32, #tpu.memory_space<vmem>>, vector<16xi32>,
        %broadcast_in_dim3A_280 = arith.constant true
        %broadcast_in_dim3A_281 = vector.broadcast %broadcast_in_dim3A_280 : i1 to vector<16xi1>
        %unique3A_282, %unique3A_283 = tpu.scan_count mask(%broadcast_in_dim3A_281 : vector<16xi1>) value(%get3A_279 : vector<16xi32>) : vector<16xi1>, vector<16xi32>
        %convert_element_type3A_284 = arith.sitofp %unique3A_283 : vector<16xi32> to vector<16xf32>
        tpu.vector_store_idx %arg14[%get3A_279], %convert_element_type3A_284 masked %unique3A_282 {add = true} : memref<10000xf32, #tpu.memory_space<vmem>>[vector<16xi32>], vector<16xf32>, vector<16xi1>
        %add3A_285 = arith.constant 48 : i32
        %add3A_286 = arith.addi %mul3A_249, %add3A_285 : i32
        %get3A_287 = arith.index_cast %add3A_286 : i32 to index
        %get3A_288 = tpu.vector_load %arg8[%get3A_287] {strides = array<i32>} : memref<10000xi32, #tpu.memory_space<vmem>>, vector<16xi32>,
        %broadcast_in_dim3A_289 = arith.constant true
        %broadcast_in_dim3A_290 = vector.broadcast %broadcast_in_dim3A_289 : i1 to vector<16xi1>
        %unique3A_291, %unique3A_292 = tpu.scan_count mask(%broadcast_in_dim3A_290 : vector<16xi1>) value(%get3A_288 : vector<16xi32>) : vector<16xi1>, vector<16xi32>
        %convert_element_type3A_293 = arith.sitofp %unique3A_292 : vector<16xi32> to vector<16xf32>
        tpu.vector_store_idx %arg14[%get3A_288], %convert_element_type3A_293 masked %unique3A_291 {add = true} : memref<10000xf32, #tpu.memory_space<vmem>>[vector<16xi32>], vector<16xf32>, vector<16xi1>
        %add3A_294 = arith.constant 64 : i32
        %add3A_295 = arith.addi %mul3A_249, %add3A_294 : i32
        %get3A_296 = arith.index_cast %add3A_295 : i32 to index
        %get3A_297 = tpu.vector_load %arg8[%get3A_296] {strides = array<i32>} : memref<10000xi32, #tpu.memory_space<vmem>>, vector<16xi32>,
        %broadcast_in_dim3A_298 = arith.constant true
        %broadcast_in_dim3A_299 = vector.broadcast %broadcast_in_dim3A_298 : i1 to vector<16xi1>
        %unique3A_300, %unique3A_301 = tpu.scan_count mask(%broadcast_in_dim3A_299 : vector<16xi1>) value(%get3A_297 : vector<16xi32>) : vector<16xi1>, vector<16xi32>
        %convert_element_type3A_302 = arith.sitofp %unique3A_301 : vector<16xi32> to vector<16xf32>
        tpu.vector_store_idx %arg14[%get3A_297], %convert_element_type3A_302 masked %unique3A_300 {add = true} : memref<10000xf32, #tpu.memory_space<vmem>>[vector<16xi32>], vector<16xf32>, vector<16xi1>
        %add3A_303 = arith.constant 0 : i32
        %add3A_304 = arith.addi %mul3A_249, %add3A_303 : i32
        %get3A_305 = arith.index_cast %add3A_304 : i32 to index
        %get3A_306 = tpu.vector_load %arg9[%get3A_305] {strides = array<i32>} : memref<10000xi32, #tpu.memory_space<vmem>>, vector<16xi32>,
        %broadcast_in_dim3A_307 = arith.constant true
        %broadcast_in_dim3A_308 = vector.broadcast %broadcast_in_dim3A_307 : i1 to vector<16xi1>
        %unique3A_309, %unique3A_310 = tpu.scan_count mask(%broadcast_in_dim3A_308 : vector<16xi1>) value(%get3A_306 : vector<16xi32>) : vector<16xi1>, vector<16xi32>
        %convert_element_type3A_311 = arith.sitofp %unique3A_310 : vector<16xi32> to vector<16xf32>
        tpu.vector_store_idx %arg14[%get3A_306], %convert_element_type3A_311 masked %unique3A_309 {add = true} : memref<10000xf32, #tpu.memory_space<vmem>>[vector<16xi32>], vector<16xf32>, vector<16xi1>
        %add3A_312 = arith.constant 16 : i32
        %add3A_313 = arith.addi %mul3A_249, %add3A_312 : i32
        %get3A_314 = arith.index_cast %add3A_313 : i32 to index
        %get3A_315 = tpu.vector_load %arg9[%get3A_314] {strides = array<i32>} : memref<10000xi32, #tpu.memory_space<vmem>>, vector<16xi32>,
        %broadcast_in_dim3A_316 = arith.constant true
        %broadcast_in_dim3A_317 = vector.broadcast %broadcast_in_dim3A_316 : i1 to vector<16xi1>
        %unique3A_318, %unique3A_319 = tpu.scan_count mask(%broadcast_in_dim3A_317 : vector<16xi1>) value(%get3A_315 : vector<16xi32>) : vector<16xi1>, vector<16xi32>
        %convert_element_type3A_320 = arith.sitofp %unique3A_319 : vector<16xi32> to vector<16xf32>
        tpu.vector_store_idx %arg14[%get3A_315], %convert_element_type3A_320 masked %unique3A_318 {add = true} : memref<10000xf32, #tpu.memory_space<vmem>>[vector<16xi32>], vector<16xf32>, vector<16xi1>
        %add3A_321 = arith.constant 32 : i32
        %add3A_322 = arith.addi %mul3A_249, %add3A_321 : i32
        %get3A_323 = arith.index_cast %add3A_322 : i32 to index
        %get3A_324 = tpu.vector_load %arg9[%get3A_323] {strides = array<i32>} : memref<10000xi32, #tpu.memory_space<vmem>>, vector<16xi32>,
        %broadcast_in_dim3A_325 = arith.constant true
        %broadcast_in_dim3A_326 = vector.broadcast %broadcast_in_dim3A_325 : i1 to vector<16xi1>
        %unique3A_327, %unique3A_328 = tpu.scan_count mask(%broadcast_in_dim3A_326 : vector<16xi1>) value(%get3A_324 : vector<16xi32>) : vector<16xi1>, vector<16xi32>
        %convert_element_type3A_329 = arith.sitofp %unique3A_328 : vector<16xi32> to vector<16xf32>
        tpu.vector_store_idx %arg14[%get3A_324], %convert_element_type3A_329 masked %unique3A_327 {add = true} : memref<10000xf32, #tpu.memory_space<vmem>>[vector<16xi32>], vector<16xf32>, vector<16xi1>
        %add3A_330 = arith.constant 48 : i32
        %add3A_331 = arith.addi %mul3A_249, %add3A_330 : i32
        %get3A_332 = arith.index_cast %add3A_331 : i32 to index
        %get3A_333 = tpu.vector_load %arg9[%get3A_332] {strides = array<i32>} : memref<10000xi32, #tpu.memory_space<vmem>>, vector<16xi32>,
        %broadcast_in_dim3A_334 = arith.constant true
        %broadcast_in_dim3A_335 = vector.broadcast %broadcast_in_dim3A_334 : i1 to vector<16xi1>
        %unique3A_336, %unique3A_337 = tpu.scan_count mask(%broadcast_in_dim3A_335 : vector<16xi1>) value(%get3A_333 : vector<16xi32>) : vector<16xi1>, vector<16xi32>
        %convert_element_type3A_338 = arith.sitofp %unique3A_337 : vector<16xi32> to vector<16xf32>
        tpu.vector_store_idx %arg14[%get3A_333], %convert_element_type3A_338 masked %unique3A_336 {add = true} : memref<10000xf32, #tpu.memory_space<vmem>>[vector<16xi32>], vector<16xf32>, vector<16xi1>
        %add3A_339 = arith.constant 64 : i32
        %add3A_340 = arith.addi %mul3A_249, %add3A_339 : i32
        %get3A_341 = arith.index_cast %add3A_340 : i32 to index
        %get3A_342 = tpu.vector_load %arg9[%get3A_341] {strides = array<i32>} : memref<10000xi32, #tpu.memory_space<vmem>>, vector<16xi32>,
        %broadcast_in_dim3A_343 = arith.constant true
        %broadcast_in_dim3A_344 = vector.broadcast %broadcast_in_dim3A_343 : i1 to vector<16xi1>
        %unique3A_345, %unique3A_346 = tpu.scan_count mask(%broadcast_in_dim3A_344 : vector<16xi1>) value(%get3A_342 : vector<16xi32>) : vector<16xi1>, vector<16xi32>
        %convert_element_type3A_347 = arith.sitofp %unique3A_346 : vector<16xi32> to vector<16xf32>
        tpu.vector_store_idx %arg14[%get3A_342], %convert_element_type3A_347 masked %unique3A_345 {add = true} : memref<10000xf32, #tpu.memory_space<vmem>>[vector<16xi32>], vector<16xf32>, vector<16xi1>
      } else {
      }
      %add3A_227 = arith.constant 3 : i32
      %add3A_228 = arith.addi %mul3A_194, %add3A_227 : i32
      %lt3A_229 = arith.constant 125 : i32
      %lt3A_230 = arith.cmpi slt, %add3A_228, %lt3A_229 : i32
      %convert_element_type3A_231 = arith.extui %lt3A_230 : i1 to i32
      %cond3A_232 = arith.constant 0 : i32
      %cond3A_233 = arith.cmpi ne, %convert_element_type3A_231, %cond3A_232 : i32
      scf.if %cond3A_233 {
        %add3A_234 = arith.constant 1 : i32
        %add3A_235 = arith.addi %mul3A_194, %add3A_234 : i32
        %mul3A_236 = arith.constant 80 : i32
        %mul3A_237 = arith.muli %add3A_235, %mul3A_236 : i32
        %add3A_238 = arith.addi %mul3A_2, %mul3A_237 : i32
        %dma_wait3A_239 = arith.constant 0 : i32
        %dma_wait3A_240 = tpu.memref_slice %arg5[%add3A_238, %dma_wait3A_239] : memref<320000x128xf32, #tpu.memory_space<hbm>> -> memref<80x128xf32, #tpu.memory_space<hbm>>
        %dma_wait3A_241 = arith.constant 0 : i32
        %dma_wait3A_242 = tpu.memref_slice %arg5[%add3A_238, %dma_wait3A_241] : memref<320000x128xf32, #tpu.memory_space<hbm>> -> memref<80x128xf32, #tpu.memory_space<hbm>>
        tpu.wait_dma2 semaphore(%arg21 : memref<!tpu.dma_semaphore, #tpu.memory_space<semaphore_mem>>) src(%arg12 : memref<80x128xf32, #tpu.memory_space<vmem>>) dst(%dma_wait3A_242 : memref<80x128xf32, #tpu.memory_space<hbm>>)
        %add3A_243 = arith.addi %mul3A_2, %mul3A_237 : i32
        %dma_wait3A_244 = arith.constant 0 : i32
        %dma_wait3A_245 = tpu.memref_slice %arg6[%add3A_243, %dma_wait3A_244] : memref<320000x128xf32, #tpu.memory_space<hbm>> -> memref<80x128xf32, #tpu.memory_space<hbm>>
        %dma_wait3A_246 = arith.constant 0 : i32
        %dma_wait3A_247 = tpu.memref_slice %arg6[%add3A_243, %dma_wait3A_246] : memref<320000x128xf32, #tpu.memory_space<hbm>> -> memref<80x128xf32, #tpu.memory_space<hbm>>
        tpu.wait_dma2 semaphore(%arg22 : memref<!tpu.dma_semaphore, #tpu.memory_space<semaphore_mem>>) src(%arg13 : memref<80x128xf32, #tpu.memory_space<vmem>>) dst(%dma_wait3A_247 : memref<80x128xf32, #tpu.memory_space<hbm>>)
        %add3A_248 = arith.constant 3 : i32
        %add3A_249 = arith.addi %mul3A_194, %add3A_248 : i32
        %mul3A_250 = arith.constant 80 : i32
        %mul3A_251 = arith.muli %add3A_249, %mul3A_250 : i32
        %dma_start3A_252 = tpu.memref_slice %arg8[%mul3A_251] : memref<10000xi32, #tpu.memory_space<vmem>> -> memref<80xi32, #tpu.memory_space<vmem>>
        %dma_start3A_253 = arith.constant 0 : i32
        %dma_start3A_254 = arith.constant 0 : i32
        %dma_start3A_255 = tpu.memref_slice %arg2[%dma_start3A_253, %dma_start3A_254] : memref<10000x128xf32, #tpu.memory_space<hbm>> -> memref<10000x128xf32, #tpu.memory_space<hbm>>
        tpu.enqueue_indirect_dma source(%dma_start3A_255 : memref<10000x128xf32, #tpu.memory_space<hbm>>) target(%arg12 : memref<80x128xf32, #tpu.memory_space<vmem>>) offsets(%dma_start3A_252 : memref<80xi32, #tpu.memory_space<vmem>>) semaphore(%arg17 : memref<!tpu.dma_semaphore, #tpu.memory_space<semaphore_mem>>)
        %dma_start3A_256 = tpu.memref_slice %arg9[%mul3A_251] : memref<10000xi32, #tpu.memory_space<vmem>> -> memref<80xi32, #tpu.memory_space<vmem>>
        %dma_start3A_257 = arith.constant 0 : i32
        %dma_start3A_258 = arith.constant 0 : i32
        %dma_start3A_259 = tpu.memref_slice %arg2[%dma_start3A_257, %dma_start3A_258] : memref<10000x128xf32, #tpu.memory_space<hbm>> -> memref<10000x128xf32, #tpu.memory_space<hbm>>
        tpu.enqueue_indirect_dma source(%dma_start3A_259 : memref<10000x128xf32, #tpu.memory_space<hbm>>) target(%arg13 : memref<80x128xf32, #tpu.memory_space<vmem>>) offsets(%dma_start3A_256 : memref<80xi32, #tpu.memory_space<vmem>>) semaphore(%arg18 : memref<!tpu.dma_semaphore, #tpu.memory_space<semaphore_mem>>)
        %add3A_260 = arith.constant 0 : i32
        %add3A_261 = arith.addi %mul3A_251, %add3A_260 : i32
        %get3A_262 = arith.index_cast %add3A_261 : i32 to index
        %get3A_263 = tpu.vector_load %arg8[%get3A_262] {strides = array<i32>} : memref<10000xi32, #tpu.memory_space<vmem>>, vector<16xi32>,
        %broadcast_in_dim3A_264 = arith.constant true
        %broadcast_in_dim3A_265 = vector.broadcast %broadcast_in_dim3A_264 : i1 to vector<16xi1>
        %unique3A_266, %unique3A_267 = tpu.scan_count mask(%broadcast_in_dim3A_265 : vector<16xi1>) value(%get3A_263 : vector<16xi32>) : vector<16xi1>, vector<16xi32>
        %convert_element_type3A_268 = arith.sitofp %unique3A_267 : vector<16xi32> to vector<16xf32>
        tpu.vector_store_idx %arg14[%get3A_263], %convert_element_type3A_268 masked %unique3A_266 {add = true} : memref<10000xf32, #tpu.memory_space<vmem>>[vector<16xi32>], vector<16xf32>, vector<16xi1>
        %add3A_269 = arith.constant 16 : i32
        %add3A_270 = arith.addi %mul3A_251, %add3A_269 : i32
        %get3A_271 = arith.index_cast %add3A_270 : i32 to index
        %get3A_272 = tpu.vector_load %arg8[%get3A_271] {strides = array<i32>} : memref<10000xi32, #tpu.memory_space<vmem>>, vector<16xi32>,
        %broadcast_in_dim3A_273 = arith.constant true
        %broadcast_in_dim3A_274 = vector.broadcast %broadcast_in_dim3A_273 : i1 to vector<16xi1>
        %unique3A_275, %unique3A_276 = tpu.scan_count mask(%broadcast_in_dim3A_274 : vector<16xi1>) value(%get3A_272 : vector<16xi32>) : vector<16xi1>, vector<16xi32>
        %convert_element_type3A_277 = arith.sitofp %unique3A_276 : vector<16xi32> to vector<16xf32>
        tpu.vector_store_idx %arg14[%get3A_272], %convert_element_type3A_277 masked %unique3A_275 {add = true} : memref<10000xf32, #tpu.memory_space<vmem>>[vector<16xi32>], vector<16xf32>, vector<16xi1>
        %add3A_278 = arith.constant 32 : i32
        %add3A_279 = arith.addi %mul3A_251, %add3A_278 : i32
        %get3A_280 = arith.index_cast %add3A_279 : i32 to index
        %get3A_281 = tpu.vector_load %arg8[%get3A_280] {strides = array<i32>} : memref<10000xi32, #tpu.memory_space<vmem>>, vector<16xi32>,
        %broadcast_in_dim3A_282 = arith.constant true
        %broadcast_in_dim3A_283 = vector.broadcast %broadcast_in_dim3A_282 : i1 to vector<16xi1>
        %unique3A_284, %unique3A_285 = tpu.scan_count mask(%broadcast_in_dim3A_283 : vector<16xi1>) value(%get3A_281 : vector<16xi32>) : vector<16xi1>, vector<16xi32>
        %convert_element_type3A_286 = arith.sitofp %unique3A_285 : vector<16xi32> to vector<16xf32>
        tpu.vector_store_idx %arg14[%get3A_281], %convert_element_type3A_286 masked %unique3A_284 {add = true} : memref<10000xf32, #tpu.memory_space<vmem>>[vector<16xi32>], vector<16xf32>, vector<16xi1>
        %add3A_287 = arith.constant 48 : i32
        %add3A_288 = arith.addi %mul3A_251, %add3A_287 : i32
        %get3A_289 = arith.index_cast %add3A_288 : i32 to index
        %get3A_290 = tpu.vector_load %arg8[%get3A_289] {strides = array<i32>} : memref<10000xi32, #tpu.memory_space<vmem>>, vector<16xi32>,
        %broadcast_in_dim3A_291 = arith.constant true
        %broadcast_in_dim3A_292 = vector.broadcast %broadcast_in_dim3A_291 : i1 to vector<16xi1>
        %unique3A_293, %unique3A_294 = tpu.scan_count mask(%broadcast_in_dim3A_292 : vector<16xi1>) value(%get3A_290 : vector<16xi32>) : vector<16xi1>, vector<16xi32>
        %convert_element_type3A_295 = arith.sitofp %unique3A_294 : vector<16xi32> to vector<16xf32>
        tpu.vector_store_idx %arg14[%get3A_290], %convert_element_type3A_295 masked %unique3A_293 {add = true} : memref<10000xf32, #tpu.memory_space<vmem>>[vector<16xi32>], vector<16xf32>, vector<16xi1>
        %add3A_296 = arith.constant 64 : i32
        %add3A_297 = arith.addi %mul3A_251, %add3A_296 : i32
        %get3A_298 = arith.index_cast %add3A_297 : i32 to index
        %get3A_299 = tpu.vector_load %arg8[%get3A_298] {strides = array<i32>} : memref<10000xi32, #tpu.memory_space<vmem>>, vector<16xi32>,
        %broadcast_in_dim3A_300 = arith.constant true
        %broadcast_in_dim3A_301 = vector.broadcast %broadcast_in_dim3A_300 : i1 to vector<16xi1>
        %unique3A_302, %unique3A_303 = tpu.scan_count mask(%broadcast_in_dim3A_301 : vector<16xi1>) value(%get3A_299 : vector<16xi32>) : vector<16xi1>, vector<16xi32>
        %convert_element_type3A_304 = arith.sitofp %unique3A_303 : vector<16xi32> to vector<16xf32>
        tpu.vector_store_idx %arg14[%get3A_299], %convert_element_type3A_304 masked %unique3A_302 {add = true} : memref<10000xf32, #tpu.memory_space<vmem>>[vector<16xi32>], vector<16xf32>, vector<16xi1>
        %add3A_305 = arith.constant 0 : i32
        %add3A_306 = arith.addi %mul3A_251, %add3A_305 : i32
        %get3A_307 = arith.index_cast %add3A_306 : i32 to index
        %get3A_308 = tpu.vector_load %arg9[%get3A_307] {strides = array<i32>} : memref<10000xi32, #tpu.memory_space<vmem>>, vector<16xi32>,
        %broadcast_in_dim3A_309 = arith.constant true
        %broadcast_in_dim3A_310 = vector.broadcast %broadcast_in_dim3A_309 : i1 to vector<16xi1>
        %unique3A_311, %unique3A_312 = tpu.scan_count mask(%broadcast_in_dim3A_310 : vector<16xi1>) value(%get3A_308 : vector<16xi32>) : vector<16xi1>, vector<16xi32>
        %convert_element_type3A_313 = arith.sitofp %unique3A_312 : vector<16xi32> to vector<16xf32>
        tpu.vector_store_idx %arg14[%get3A_308], %convert_element_type3A_313 masked %unique3A_311 {add = true} : memref<10000xf32, #tpu.memory_space<vmem>>[vector<16xi32>], vector<16xf32>, vector<16xi1>
        %add3A_314 = arith.constant 16 : i32
        %add3A_315 = arith.addi %mul3A_251, %add3A_314 : i32
        %get3A_316 = arith.index_cast %add3A_315 : i32 to index
        %get3A_317 = tpu.vector_load %arg9[%get3A_316] {strides = array<i32>} : memref<10000xi32, #tpu.memory_space<vmem>>, vector<16xi32>,
        %broadcast_in_dim3A_318 = arith.constant true
        %broadcast_in_dim3A_319 = vector.broadcast %broadcast_in_dim3A_318 : i1 to vector<16xi1>
        %unique3A_320, %unique3A_321 = tpu.scan_count mask(%broadcast_in_dim3A_319 : vector<16xi1>) value(%get3A_317 : vector<16xi32>) : vector<16xi1>, vector<16xi32>
        %convert_element_type3A_322 = arith.sitofp %unique3A_321 : vector<16xi32> to vector<16xf32>
        tpu.vector_store_idx %arg14[%get3A_317], %convert_element_type3A_322 masked %unique3A_320 {add = true} : memref<10000xf32, #tpu.memory_space<vmem>>[vector<16xi32>], vector<16xf32>, vector<16xi1>
        %add3A_323 = arith.constant 32 : i32
        %add3A_324 = arith.addi %mul3A_251, %add3A_323 : i32
        %get3A_325 = arith.index_cast %add3A_324 : i32 to index
        %get3A_326 = tpu.vector_load %arg9[%get3A_325] {strides = array<i32>} : memref<10000xi32, #tpu.memory_space<vmem>>, vector<16xi32>,
        %broadcast_in_dim3A_327 = arith.constant true
        %broadcast_in_dim3A_328 = vector.broadcast %broadcast_in_dim3A_327 : i1 to vector<16xi1>
        %unique3A_329, %unique3A_330 = tpu.scan_count mask(%broadcast_in_dim3A_328 : vector<16xi1>) value(%get3A_326 : vector<16xi32>) : vector<16xi1>, vector<16xi32>
        %convert_element_type3A_331 = arith.sitofp %unique3A_330 : vector<16xi32> to vector<16xf32>
        tpu.vector_store_idx %arg14[%get3A_326], %convert_element_type3A_331 masked %unique3A_329 {add = true} : memref<10000xf32, #tpu.memory_space<vmem>>[vector<16xi32>], vector<16xf32>, vector<16xi1>
        %add3A_332 = arith.constant 48 : i32
        %add3A_333 = arith.addi %mul3A_251, %add3A_332 : i32
        %get3A_334 = arith.index_cast %add3A_333 : i32 to index
        %get3A_335 = tpu.vector_load %arg9[%get3A_334] {strides = array<i32>} : memref<10000xi32, #tpu.memory_space<vmem>>, vector<16xi32>,
        %broadcast_in_dim3A_336 = arith.constant true
        %broadcast_in_dim3A_337 = vector.broadcast %broadcast_in_dim3A_336 : i1 to vector<16xi1>
        %unique3A_338, %unique3A_339 = tpu.scan_count mask(%broadcast_in_dim3A_337 : vector<16xi1>) value(%get3A_335 : vector<16xi32>) : vector<16xi1>, vector<16xi32>
        %convert_element_type3A_340 = arith.sitofp %unique3A_339 : vector<16xi32> to vector<16xf32>
        tpu.vector_store_idx %arg14[%get3A_335], %convert_element_type3A_340 masked %unique3A_338 {add = true} : memref<10000xf32, #tpu.memory_space<vmem>>[vector<16xi32>], vector<16xf32>, vector<16xi1>
        %add3A_341 = arith.constant 64 : i32
        %add3A_342 = arith.addi %mul3A_251, %add3A_341 : i32
        %get3A_343 = arith.index_cast %add3A_342 : i32 to index
        %get3A_344 = tpu.vector_load %arg9[%get3A_343] {strides = array<i32>} : memref<10000xi32, #tpu.memory_space<vmem>>, vector<16xi32>,
        %broadcast_in_dim3A_345 = arith.constant true
        %broadcast_in_dim3A_346 = vector.broadcast %broadcast_in_dim3A_345 : i1 to vector<16xi1>
        %unique3A_347, %unique3A_348 = tpu.scan_count mask(%broadcast_in_dim3A_346 : vector<16xi1>) value(%get3A_344 : vector<16xi32>) : vector<16xi1>, vector<16xi32>
        %convert_element_type3A_349 = arith.sitofp %unique3A_348 : vector<16xi32> to vector<16xf32>
        tpu.vector_store_idx %arg14[%get3A_344], %convert_element_type3A_349 masked %unique3A_347 {add = true} : memref<10000xf32, #tpu.memory_space<vmem>>[vector<16xi32>], vector<16xf32>, vector<16xi1>
      } else {
      }
    }
    %scan3A_168 = arith.constant 63 : i32
    %add3A_169 = arith.constant 9920 : i32
    %add3A_170 = arith.addi %mul3A_2, %add3A_169 : i32
    %dma_wait3A = arith.constant 0 : i32
    %dma_wait3A_171 = tpu.memref_slice %arg5[%add3A_170, %dma_wait3A] : memref<320000x128xf32, #tpu.memory_space<hbm>> -> memref<80x128xf32, #tpu.memory_space<hbm>>
    %dma_wait3A_172 = arith.constant 0 : i32
    %dma_wait3A_173 = tpu.memref_slice %arg5[%add3A_170, %dma_wait3A_172] : memref<320000x128xf32, #tpu.memory_space<hbm>> -> memref<80x128xf32, #tpu.memory_space<hbm>>
    tpu.wait_dma2 semaphore(%arg19 : memref<!tpu.dma_semaphore, #tpu.memory_space<semaphore_mem>>) src(%arg10 : memref<80x128xf32, #tpu.memory_space<vmem>>) dst(%dma_wait3A_173 : memref<80x128xf32, #tpu.memory_space<hbm>>)
    %add3A_174 = arith.constant 9920 : i32
    %add3A_175 = arith.addi %mul3A_2, %add3A_174 : i32
    %dma_wait3A_176 = arith.constant 0 : i32
    %dma_wait3A_177 = tpu.memref_slice %arg6[%add3A_175, %dma_wait3A_176] : memref<320000x128xf32, #tpu.memory_space<hbm>> -> memref<80x128xf32, #tpu.memory_space<hbm>>
    %dma_wait3A_178 = arith.constant 0 : i32
    %dma_wait3A_179 = tpu.memref_slice %arg6[%add3A_175, %dma_wait3A_178] : memref<320000x128xf32, #tpu.memory_space<hbm>> -> memref<80x128xf32, #tpu.memory_space<hbm>>
    tpu.wait_dma2 semaphore(%arg20 : memref<!tpu.dma_semaphore, #tpu.memory_space<semaphore_mem>>) src(%arg11 : memref<80x128xf32, #tpu.memory_space<vmem>>) dst(%dma_wait3A_179 : memref<80x128xf32, #tpu.memory_space<hbm>>)
    %add3A_180 = arith.constant 9840 : i32
    %add3A_181 = arith.addi %mul3A_2, %add3A_180 : i32
    %dma_wait3A_182 = arith.constant 0 : i32
    %dma_wait3A_183 = tpu.memref_slice %arg5[%add3A_181, %dma_wait3A_182] : memref<320000x128xf32, #tpu.memory_space<hbm>> -> memref<80x128xf32, #tpu.memory_space<hbm>>
    %dma_wait3A_184 = arith.constant 0 : i32
    %dma_wait3A_185 = tpu.memref_slice %arg5[%add3A_181, %dma_wait3A_184] : memref<320000x128xf32, #tpu.memory_space<hbm>> -> memref<80x128xf32, #tpu.memory_space<hbm>>
    tpu.wait_dma2 semaphore(%arg21 : memref<!tpu.dma_semaphore, #tpu.memory_space<semaphore_mem>>) src(%arg12 : memref<80x128xf32, #tpu.memory_space<vmem>>) dst(%dma_wait3A_185 : memref<80x128xf32, #tpu.memory_space<hbm>>)
    %add3A_186 = arith.constant 9840 : i32
    %add3A_187 = arith.addi %mul3A_2, %add3A_186 : i32
    %dma_wait3A_188 = arith.constant 0 : i32
    %dma_wait3A_189 = tpu.memref_slice %arg6[%add3A_187, %dma_wait3A_188] : memref<320000x128xf32, #tpu.memory_space<hbm>> -> memref<80x128xf32, #tpu.memory_space<hbm>>
    %dma_wait3A_190 = arith.constant 0 : i32
    %dma_wait3A_191 = tpu.memref_slice %arg6[%add3A_187, %dma_wait3A_190] : memref<320000x128xf32, #tpu.memory_space<hbm>> -> memref<80x128xf32, #tpu.memory_space<hbm>>
    tpu.wait_dma2 semaphore(%arg22 : memref<!tpu.dma_semaphore, #tpu.memory_space<semaphore_mem>>) src(%arg13 : memref<80x128xf32, #tpu.memory_space<vmem>>) dst(%dma_wait3A_191 : memref<80x128xf32, #tpu.memory_space<hbm>>)
    %run_scoped3A = arith.constant 0 : i32
    "tpu.region"() ({
      %run_scoped3A_192 = tpu.sem_alloc : memref<!tpu.dma_semaphore, #tpu.memory_space<semaphore_mem>>
      %dma_start3A_193 = arith.constant 0 : i32
      %dma_start3A_194 = tpu.memref_slice %arg7[%add3A, %run_scoped3A, %dma_start3A_193] : memref<32x1x10000xf32, #tpu.memory_space<hbm>> -> memref<1x1x10000xf32, #tpu.memory_space<hbm>>
      %dma_start3A_195 = tpu.memref_squeeze %dma_start3A_194 : memref<1x1x10000xf32, #tpu.memory_space<hbm>> -> memref<10000xf32, #tpu.memory_space<hbm>>
      %dma_start3A_196 = arith.constant 0 : i32
      %dma_start3A_197 = tpu.memref_slice %arg7[%add3A, %run_scoped3A, %dma_start3A_196] : memref<32x1x10000xf32, #tpu.memory_space<hbm>> -> memref<1x1x10000xf32, #tpu.memory_space<hbm>>
      %dma_start3A_198 = tpu.memref_squeeze %dma_start3A_197 : memref<1x1x10000xf32, #tpu.memory_space<hbm>> -> memref<10000xf32, #tpu.memory_space<hbm>>
      tpu.enqueue_dma source(%arg14 : memref<10000xf32, #tpu.memory_space<vmem>>) target(%dma_start3A_198 : memref<10000xf32, #tpu.memory_space<hbm>>) target_semaphore(%run_scoped3A_192 : memref<!tpu.dma_semaphore, #tpu.memory_space<semaphore_mem>>)
      %dma_wait3A_199 = arith.constant 0 : i32
      %dma_wait3A_200 = tpu.memref_slice %arg7[%add3A, %run_scoped3A, %dma_wait3A_199] : memref<32x1x10000xf32, #tpu.memory_space<hbm>> -> memref<1x1x10000xf32, #tpu.memory_space<hbm>>
      %dma_wait3A_201 = tpu.memref_squeeze %dma_wait3A_200 : memref<1x1x10000xf32, #tpu.memory_space<hbm>> -> memref<10000xf32, #tpu.memory_space<hbm>>
      %dma_wait3A_202 = arith.constant 0 : i32
      %dma_wait3A_203 = tpu.memref_slice %arg7[%add3A, %run_scoped3A, %dma_wait3A_202] : memref<32x1x10000xf32, #tpu.memory_space<hbm>> -> memref<1x1x10000xf32, #tpu.memory_space<hbm>>
      %dma_wait3A_204 = tpu.memref_squeeze %dma_wait3A_203 : memref<1x1x10000xf32, #tpu.memory_space<hbm>> -> memref<10000xf32, #tpu.memory_space<hbm>>
      tpu.wait_dma2 semaphore(%run_scoped3A_192 : memref<!tpu.dma_semaphore, #tpu.memory_space<semaphore_mem>>) src(%arg14 : memref<10000xf32, #tpu.memory_space<vmem>>) dst(%dma_wait3A_204 : memref<10000xf32, #tpu.memory_space<hbm>>)
      tpu.yield
    }) : () -> ()
    return
  }
}

#map = affine_map<(d0, d1) -> (0, 0)>
#map1 = affine_map<(d0, d1) -> (0)>
#map2 = affine_map<(d0, d1) -> (0, 0, 0)>
module attributes {stable_mosaic.version = 14 : i64} {
  func.func @_scatter_body(%arg0: i32, %arg1: i32, %arg2: memref<320000x128xf32, #tpu.memory_space<hbm>>, %arg3: memref<320000x128xf32, #tpu.memory_space<hbm>>, %arg4: memref<320000xi32, #tpu.memory_space<hbm>>, %arg5: memref<320000xi32, #tpu.memory_space<hbm>>, %arg6: memref<80x128xf32, #tpu.memory_space<hbm>>, %arg7: memref<2x10000x128xf32, #tpu.memory_space<hbm>>, %arg8: memref<80xi32, #tpu.memory_space<vmem>>, %arg9: memref<80xi32, #tpu.memory_space<vmem>>, %arg10: memref<80xi32, #tpu.memory_space<vmem>>, %arg11: memref<80xi32, #tpu.memory_space<vmem>>, %arg12: memref<80x128xf32, #tpu.memory_space<vmem>>, %arg13: memref<80x128xf32, #tpu.memory_space<vmem>>, %arg14: memref<80x128xf32, #tpu.memory_space<vmem>>, %arg15: memref<80x128xf32, #tpu.memory_space<vmem>>, %arg16: memref<10000x128xf32, #tpu.memory_space<vmem_shared>>, %arg17: memref<!tpu.dma_semaphore, #tpu.memory_space<semaphore_mem>>, %arg18: memref<!tpu.dma_semaphore, #tpu.memory_space<semaphore_mem>>, %arg19: memref<!tpu.dma_semaphore, #tpu.memory_space<semaphore_mem>>, %arg20: memref<!tpu.dma_semaphore, #tpu.memory_space<semaphore_mem>>, %arg21: memref<!tpu.dma_semaphore, #tpu.memory_space<semaphore_mem>>, %arg22: memref<!tpu.dma_semaphore, #tpu.memory_space<semaphore_mem>>, %arg23: memref<!tpu.dma_semaphore, #tpu.memory_space<semaphore_mem>>, %arg24: memref<!tpu.dma_semaphore, #tpu.memory_space<semaphore_mem>>, %arg25: memref<!tpu.dma_semaphore, #tpu.memory_space<semaphore_mem>>, %arg26: memref<!tpu.dma_semaphore, #tpu.memory_space<semaphore_mem>>, %arg27: memref<!tpu.dma_semaphore, #tpu.memory_space<semaphore_mem>>, %arg28: memref<!tpu.dma_semaphore, #tpu.memory_space<semaphore_mem>>) attributes {dimension_semantics = [#tpu.dimension_semantics<core_parallel>, #tpu.dimension_semantics<subcore_parallel>], iteration_bounds = array<i64: 2, 16>, scalar_prefetch = 0 : i64, scratch_operands = 21 : i64, tpu.core_type = #tpu.core_type<sc_vector_subcore>, window_params = [{transform_indices = #map}, {transform_indices = #map}, {transform_indices = #map1}, {transform_indices = #map1}, {transform_indices = #map}, {transform_indices = #map2}]} {
    "tpu.region"() ({
      %run_scoped3A = tpu.sem_alloc : memref<!tpu.dma_semaphore, #tpu.memory_space<semaphore_mem>>
      tpu.enqueue_dma source(%arg6 : memref<80x128xf32, #tpu.memory_space<hbm>>) target(%arg12 : memref<80x128xf32, #tpu.memory_space<vmem>>) target_semaphore(%run_scoped3A : memref<!tpu.dma_semaphore, #tpu.memory_space<semaphore_mem>>)
      tpu.wait_dma2 semaphore(%run_scoped3A : memref<!tpu.dma_semaphore, #tpu.memory_space<semaphore_mem>>) src(%arg6 : memref<80x128xf32, #tpu.memory_space<hbm>>) dst(%arg12 : memref<80x128xf32, #tpu.memory_space<vmem>>)
      tpu.yield
    }) : () -> ()
    %scan3A = arith.constant 0 : i32
    %scan3A_0 = arith.constant 0 : i32
    %scan3A_1 = arith.constant 8 : i32
    %scan3A_2 = arith.addi %scan3A_0, %scan3A_1 : i32
    %scan3A_3 = arith.constant 1 : i32
    scf.for %scan3A_87 = %scan3A_0 to %scan3A_2 step %scan3A_3  : i32 {
      %mul3A_88 = arith.constant 16 : i32
      %mul3A_89 = arith.muli %scan3A_87, %mul3A_88 : i32
      %add3A_90 = arith.addi %mul3A_89, %arg1 : i32
      %lt3A = arith.constant 125 : i32
      %lt3A_91 = arith.cmpi slt, %add3A_90, %lt3A : i32
      %convert_element_type3A = arith.extui %lt3A_91 : i1 to i32
      %cond3A = arith.constant 0 : i32
      %cond3A_92 = arith.cmpi ne, %convert_element_type3A, %cond3A : i32
      scf.if %cond3A_92 {
        %mul3A_93 = arith.constant 80 : i32
        %mul3A_94 = arith.muli %add3A_90, %mul3A_93 : i32
        "tpu.region"() ({
          %run_scoped3A = tpu.sem_alloc : memref<!tpu.dma_semaphore, #tpu.memory_space<semaphore_mem>>
          %dma_start3A_95 = arith.constant 0 : i32
          %dma_start3A_96 = tpu.memref_slice %arg16[%mul3A_94, %dma_start3A_95] : memref<10000x128xf32, #tpu.memory_space<vmem_shared>> -> memref<80x128xf32, #tpu.memory_space<vmem_shared>>
          %dma_start3A_97 = arith.constant 0 : i32
          %dma_start3A_98 = tpu.memref_slice %arg16[%mul3A_94, %dma_start3A_97] : memref<10000x128xf32, #tpu.memory_space<vmem_shared>> -> memref<80x128xf32, #tpu.memory_space<vmem_shared>>
          tpu.enqueue_dma source(%arg12 : memref<80x128xf32, #tpu.memory_space<vmem>>) target(%dma_start3A_98 : memref<80x128xf32, #tpu.memory_space<vmem_shared>>) target_semaphore(%run_scoped3A : memref<!tpu.dma_semaphore, #tpu.memory_space<semaphore_mem>>)
          %dma_wait3A_99 = arith.constant 0 : i32
          %dma_wait3A_100 = tpu.memref_slice %arg16[%mul3A_94, %dma_wait3A_99] : memref<10000x128xf32, #tpu.memory_space<vmem_shared>> -> memref<80x128xf32, #tpu.memory_space<vmem_shared>>
          %dma_wait3A_101 = arith.constant 0 : i32
          %dma_wait3A_102 = tpu.memref_slice %arg16[%mul3A_94, %dma_wait3A_101] : memref<10000x128xf32, #tpu.memory_space<vmem_shared>> -> memref<80x128xf32, #tpu.memory_space<vmem_shared>>
          tpu.wait_dma2 semaphore(%run_scoped3A : memref<!tpu.dma_semaphore, #tpu.memory_space<semaphore_mem>>) src(%arg12 : memref<80x128xf32, #tpu.memory_space<vmem>>) dst(%dma_wait3A_102 : memref<80x128xf32, #tpu.memory_space<vmem_shared>>)
          tpu.yield
        }) : () -> ()
      } else {
      }
    }
    %scan3A_4 = arith.constant 8 : i32
    %barrier3A = arith.constant 0 : index
    tpu.barrier barrier_id(%barrier3A)
    %mul3A = arith.constant 16 : i32
    %mul3A_5 = arith.muli %arg0, %mul3A : i32
    %add3A = arith.addi %mul3A_5, %arg1 : i32
    %mul3A_6 = arith.constant 10000 : i32
    %mul3A_7 = arith.muli %add3A, %mul3A_6 : i32
    %add3A_8 = arith.constant 0 : i32
    %add3A_9 = arith.addi %mul3A_7, %add3A_8 : i32
    %dma_start3A = tpu.memref_slice %arg4[%add3A_9] : memref<320000xi32, #tpu.memory_space<hbm>> -> memref<80xi32, #tpu.memory_space<hbm>>
    %dma_start3A_10 = tpu.memref_slice %arg4[%add3A_9] : memref<320000xi32, #tpu.memory_space<hbm>> -> memref<80xi32, #tpu.memory_space<hbm>>
    tpu.enqueue_dma source(%dma_start3A_10 : memref<80xi32, #tpu.memory_space<hbm>>) target(%arg8 : memref<80xi32, #tpu.memory_space<vmem>>) target_semaphore(%arg17 : memref<!tpu.dma_semaphore, #tpu.memory_space<semaphore_mem>>)
    %dma_start3A_11 = tpu.memref_slice %arg5[%add3A_9] : memref<320000xi32, #tpu.memory_space<hbm>> -> memref<80xi32, #tpu.memory_space<hbm>>
    %dma_start3A_12 = tpu.memref_slice %arg5[%add3A_9] : memref<320000xi32, #tpu.memory_space<hbm>> -> memref<80xi32, #tpu.memory_space<hbm>>
    tpu.enqueue_dma source(%dma_start3A_12 : memref<80xi32, #tpu.memory_space<hbm>>) target(%arg9 : memref<80xi32, #tpu.memory_space<vmem>>) target_semaphore(%arg18 : memref<!tpu.dma_semaphore, #tpu.memory_space<semaphore_mem>>)
    %dma_start3A_13 = arith.constant 0 : i32
    %dma_start3A_14 = tpu.memref_slice %arg2[%add3A_9, %dma_start3A_13] : memref<320000x128xf32, #tpu.memory_space<hbm>> -> memref<80x128xf32, #tpu.memory_space<hbm>>
    %dma_start3A_15 = arith.constant 0 : i32
    %dma_start3A_16 = tpu.memref_slice %arg2[%add3A_9, %dma_start3A_15] : memref<320000x128xf32, #tpu.memory_space<hbm>> -> memref<80x128xf32, #tpu.memory_space<hbm>>
    tpu.enqueue_dma source(%dma_start3A_16 : memref<80x128xf32, #tpu.memory_space<hbm>>) target(%arg12 : memref<80x128xf32, #tpu.memory_space<vmem>>) target_semaphore(%arg19 : memref<!tpu.dma_semaphore, #tpu.memory_space<semaphore_mem>>)
    %dma_start3A_17 = arith.constant 0 : i32
    %dma_start3A_18 = tpu.memref_slice %arg3[%add3A_9, %dma_start3A_17] : memref<320000x128xf32, #tpu.memory_space<hbm>> -> memref<80x128xf32, #tpu.memory_space<hbm>>
    %dma_start3A_19 = arith.constant 0 : i32
    %dma_start3A_20 = tpu.memref_slice %arg3[%add3A_9, %dma_start3A_19] : memref<320000x128xf32, #tpu.memory_space<hbm>> -> memref<80x128xf32, #tpu.memory_space<hbm>>
    tpu.enqueue_dma source(%dma_start3A_20 : memref<80x128xf32, #tpu.memory_space<hbm>>) target(%arg13 : memref<80x128xf32, #tpu.memory_space<vmem>>) target_semaphore(%arg20 : memref<!tpu.dma_semaphore, #tpu.memory_space<semaphore_mem>>)
    %add3A_21 = arith.constant 80 : i32
    %add3A_22 = arith.addi %mul3A_7, %add3A_21 : i32
    %dma_start3A_23 = tpu.memref_slice %arg4[%add3A_22] : memref<320000xi32, #tpu.memory_space<hbm>> -> memref<80xi32, #tpu.memory_space<hbm>>
    %dma_start3A_24 = tpu.memref_slice %arg4[%add3A_22] : memref<320000xi32, #tpu.memory_space<hbm>> -> memref<80xi32, #tpu.memory_space<hbm>>
    tpu.enqueue_dma source(%dma_start3A_24 : memref<80xi32, #tpu.memory_space<hbm>>) target(%arg10 : memref<80xi32, #tpu.memory_space<vmem>>) target_semaphore(%arg23 : memref<!tpu.dma_semaphore, #tpu.memory_space<semaphore_mem>>)
    %dma_start3A_25 = tpu.memref_slice %arg5[%add3A_22] : memref<320000xi32, #tpu.memory_space<hbm>> -> memref<80xi32, #tpu.memory_space<hbm>>
    %dma_start3A_26 = tpu.memref_slice %arg5[%add3A_22] : memref<320000xi32, #tpu.memory_space<hbm>> -> memref<80xi32, #tpu.memory_space<hbm>>
    tpu.enqueue_dma source(%dma_start3A_26 : memref<80xi32, #tpu.memory_space<hbm>>) target(%arg11 : memref<80xi32, #tpu.memory_space<vmem>>) target_semaphore(%arg24 : memref<!tpu.dma_semaphore, #tpu.memory_space<semaphore_mem>>)
    %dma_start3A_27 = arith.constant 0 : i32
    %dma_start3A_28 = tpu.memref_slice %arg2[%add3A_22, %dma_start3A_27] : memref<320000x128xf32, #tpu.memory_space<hbm>> -> memref<80x128xf32, #tpu.memory_space<hbm>>
    %dma_start3A_29 = arith.constant 0 : i32
    %dma_start3A_30 = tpu.memref_slice %arg2[%add3A_22, %dma_start3A_29] : memref<320000x128xf32, #tpu.memory_space<hbm>> -> memref<80x128xf32, #tpu.memory_space<hbm>>
    tpu.enqueue_dma source(%dma_start3A_30 : memref<80x128xf32, #tpu.memory_space<hbm>>) target(%arg14 : memref<80x128xf32, #tpu.memory_space<vmem>>) target_semaphore(%arg25 : memref<!tpu.dma_semaphore, #tpu.memory_space<semaphore_mem>>)
    %dma_start3A_31 = arith.constant 0 : i32
    %dma_start3A_32 = tpu.memref_slice %arg3[%add3A_22, %dma_start3A_31] : memref<320000x128xf32, #tpu.memory_space<hbm>> -> memref<80x128xf32, #tpu.memory_space<hbm>>
    %dma_start3A_33 = arith.constant 0 : i32
    %dma_start3A_34 = tpu.memref_slice %arg3[%add3A_22, %dma_start3A_33] : memref<320000x128xf32, #tpu.memory_space<hbm>> -> memref<80x128xf32, #tpu.memory_space<hbm>>
    tpu.enqueue_dma source(%dma_start3A_34 : memref<80x128xf32, #tpu.memory_space<hbm>>) target(%arg15 : memref<80x128xf32, #tpu.memory_space<vmem>>) target_semaphore(%arg26 : memref<!tpu.dma_semaphore, #tpu.memory_space<semaphore_mem>>)
    %add3A_35 = arith.constant 0 : i32
    %add3A_36 = arith.addi %mul3A_7, %add3A_35 : i32
    %dma_wait3A = tpu.memref_slice %arg4[%add3A_36] : memref<320000xi32, #tpu.memory_space<hbm>> -> memref<80xi32, #tpu.memory_space<hbm>>
    %dma_wait3A_37 = tpu.memref_slice %arg4[%add3A_36] : memref<320000xi32, #tpu.memory_space<hbm>> -> memref<80xi32, #tpu.memory_space<hbm>>
    tpu.wait_dma2 semaphore(%arg17 : memref<!tpu.dma_semaphore, #tpu.memory_space<semaphore_mem>>) src(%dma_wait3A_37 : memref<80xi32, #tpu.memory_space<hbm>>) dst(%arg8 : memref<80xi32, #tpu.memory_space<vmem>>)
    %dma_wait3A_38 = tpu.memref_slice %arg5[%add3A_36] : memref<320000xi32, #tpu.memory_space<hbm>> -> memref<80xi32, #tpu.memory_space<hbm>>
    %dma_wait3A_39 = tpu.memref_slice %arg5[%add3A_36] : memref<320000xi32, #tpu.memory_space<hbm>> -> memref<80xi32, #tpu.memory_space<hbm>>
    tpu.wait_dma2 semaphore(%arg18 : memref<!tpu.dma_semaphore, #tpu.memory_space<semaphore_mem>>) src(%dma_wait3A_39 : memref<80xi32, #tpu.memory_space<hbm>>) dst(%arg9 : memref<80xi32, #tpu.memory_space<vmem>>)
    %dma_wait3A_40 = arith.constant 0 : i32
    %dma_wait3A_41 = tpu.memref_slice %arg2[%add3A_36, %dma_wait3A_40] : memref<320000x128xf32, #tpu.memory_space<hbm>> -> memref<80x128xf32, #tpu.memory_space<hbm>>
    %dma_wait3A_42 = arith.constant 0 : i32
    %dma_wait3A_43 = tpu.memref_slice %arg2[%add3A_36, %dma_wait3A_42] : memref<320000x128xf32, #tpu.memory_space<hbm>> -> memref<80x128xf32, #tpu.memory_space<hbm>>
    tpu.wait_dma2 semaphore(%arg19 : memref<!tpu.dma_semaphore, #tpu.memory_space<semaphore_mem>>) src(%dma_wait3A_43 : memref<80x128xf32, #tpu.memory_space<hbm>>) dst(%arg12 : memref<80x128xf32, #tpu.memory_space<vmem>>)
    %dma_wait3A_44 = arith.constant 0 : i32
    %dma_wait3A_45 = tpu.memref_slice %arg3[%add3A_36, %dma_wait3A_44] : memref<320000x128xf32, #tpu.memory_space<hbm>> -> memref<80x128xf32, #tpu.memory_space<hbm>>
    %dma_wait3A_46 = arith.constant 0 : i32
    %dma_wait3A_47 = tpu.memref_slice %arg3[%add3A_36, %dma_wait3A_46] : memref<320000x128xf32, #tpu.memory_space<hbm>> -> memref<80x128xf32, #tpu.memory_space<hbm>>
    tpu.wait_dma2 semaphore(%arg20 : memref<!tpu.dma_semaphore, #tpu.memory_space<semaphore_mem>>) src(%dma_wait3A_47 : memref<80x128xf32, #tpu.memory_space<hbm>>) dst(%arg13 : memref<80x128xf32, #tpu.memory_space<vmem>>)
    %dma_start3A_48 = arith.constant 0 : i32
    %dma_start3A_49 = arith.constant 0 : i32
    %dma_start3A_50 = tpu.memref_slice %arg16[%dma_start3A_48, %dma_start3A_49] : memref<10000x128xf32, #tpu.memory_space<vmem_shared>> -> memref<10000x128xf32, #tpu.memory_space<vmem_shared>>
    tpu.enqueue_indirect_dma source(%arg12 : memref<80x128xf32, #tpu.memory_space<vmem>>) target(%dma_start3A_50 : memref<10000x128xf32, #tpu.memory_space<vmem_shared>>) offsets(%arg9 : memref<80xi32, #tpu.memory_space<vmem>>) semaphore(%arg21 : memref<!tpu.dma_semaphore, #tpu.memory_space<semaphore_mem>>) {add = true}
    %dma_start3A_51 = arith.constant 0 : i32
    %dma_start3A_52 = arith.constant 0 : i32
    %dma_start3A_53 = tpu.memref_slice %arg16[%dma_start3A_51, %dma_start3A_52] : memref<10000x128xf32, #tpu.memory_space<vmem_shared>> -> memref<10000x128xf32, #tpu.memory_space<vmem_shared>>
    tpu.enqueue_indirect_dma source(%arg13 : memref<80x128xf32, #tpu.memory_space<vmem>>) target(%dma_start3A_53 : memref<10000x128xf32, #tpu.memory_space<vmem_shared>>) offsets(%arg8 : memref<80xi32, #tpu.memory_space<vmem>>) semaphore(%arg22 : memref<!tpu.dma_semaphore, #tpu.memory_space<semaphore_mem>>) {add = true}
    %add3A_54 = arith.constant 80 : i32
    %add3A_55 = arith.addi %mul3A_7, %add3A_54 : i32
    %dma_wait3A_56 = tpu.memref_slice %arg4[%add3A_55] : memref<320000xi32, #tpu.memory_space<hbm>> -> memref<80xi32, #tpu.memory_space<hbm>>
    %dma_wait3A_57 = tpu.memref_slice %arg4[%add3A_55] : memref<320000xi32, #tpu.memory_space<hbm>> -> memref<80xi32, #tpu.memory_space<hbm>>
    tpu.wait_dma2 semaphore(%arg23 : memref<!tpu.dma_semaphore, #tpu.memory_space<semaphore_mem>>) src(%dma_wait3A_57 : memref<80xi32, #tpu.memory_space<hbm>>) dst(%arg10 : memref<80xi32, #tpu.memory_space<vmem>>)
    %dma_wait3A_58 = tpu.memref_slice %arg5[%add3A_55] : memref<320000xi32, #tpu.memory_space<hbm>> -> memref<80xi32, #tpu.memory_space<hbm>>
    %dma_wait3A_59 = tpu.memref_slice %arg5[%add3A_55] : memref<320000xi32, #tpu.memory_space<hbm>> -> memref<80xi32, #tpu.memory_space<hbm>>
    tpu.wait_dma2 semaphore(%arg24 : memref<!tpu.dma_semaphore, #tpu.memory_space<semaphore_mem>>) src(%dma_wait3A_59 : memref<80xi32, #tpu.memory_space<hbm>>) dst(%arg11 : memref<80xi32, #tpu.memory_space<vmem>>)
    %dma_wait3A_60 = arith.constant 0 : i32
    %dma_wait3A_61 = tpu.memref_slice %arg2[%add3A_55, %dma_wait3A_60] : memref<320000x128xf32, #tpu.memory_space<hbm>> -> memref<80x128xf32, #tpu.memory_space<hbm>>
    %dma_wait3A_62 = arith.constant 0 : i32
    %dma_wait3A_63 = tpu.memref_slice %arg2[%add3A_55, %dma_wait3A_62] : memref<320000x128xf32, #tpu.memory_space<hbm>> -> memref<80x128xf32, #tpu.memory_space<hbm>>
    tpu.wait_dma2 semaphore(%arg25 : memref<!tpu.dma_semaphore, #tpu.memory_space<semaphore_mem>>) src(%dma_wait3A_63 : memref<80x128xf32, #tpu.memory_space<hbm>>) dst(%arg14 : memref<80x128xf32, #tpu.memory_space<vmem>>)
    %dma_wait3A_64 = arith.constant 0 : i32
    %dma_wait3A_65 = tpu.memref_slice %arg3[%add3A_55, %dma_wait3A_64] : memref<320000x128xf32, #tpu.memory_space<hbm>> -> memref<80x128xf32, #tpu.memory_space<hbm>>
    %dma_wait3A_66 = arith.constant 0 : i32
    %dma_wait3A_67 = tpu.memref_slice %arg3[%add3A_55, %dma_wait3A_66] : memref<320000x128xf32, #tpu.memory_space<hbm>> -> memref<80x128xf32, #tpu.memory_space<hbm>>
    tpu.wait_dma2 semaphore(%arg26 : memref<!tpu.dma_semaphore, #tpu.memory_space<semaphore_mem>>) src(%dma_wait3A_67 : memref<80x128xf32, #tpu.memory_space<hbm>>) dst(%arg15 : memref<80x128xf32, #tpu.memory_space<vmem>>)
    %dma_start3A_68 = arith.constant 0 : i32
    %dma_start3A_69 = arith.constant 0 : i32
    %dma_start3A_70 = tpu.memref_slice %arg16[%dma_start3A_68, %dma_start3A_69] : memref<10000x128xf32, #tpu.memory_space<vmem_shared>> -> memref<10000x128xf32, #tpu.memory_space<vmem_shared>>
    tpu.enqueue_indirect_dma source(%arg14 : memref<80x128xf32, #tpu.memory_space<vmem>>) target(%dma_start3A_70 : memref<10000x128xf32, #tpu.memory_space<vmem_shared>>) offsets(%arg11 : memref<80xi32, #tpu.memory_space<vmem>>) semaphore(%arg27 : memref<!tpu.dma_semaphore, #tpu.memory_space<semaphore_mem>>) {add = true}
    %dma_start3A_71 = arith.constant 0 : i32
    %dma_start3A_72 = arith.constant 0 : i32
    %dma_start3A_73 = tpu.memref_slice %arg16[%dma_start3A_71, %dma_start3A_72] : memref<10000x128xf32, #tpu.memory_space<vmem_shared>> -> memref<10000x128xf32, #tpu.memory_space<vmem_shared>>
    tpu.enqueue_indirect_dma source(%arg15 : memref<80x128xf32, #tpu.memory_space<vmem>>) target(%dma_start3A_73 : memref<10000x128xf32, #tpu.memory_space<vmem_shared>>) offsets(%arg10 : memref<80xi32, #tpu.memory_space<vmem>>) semaphore(%arg28 : memref<!tpu.dma_semaphore, #tpu.memory_space<semaphore_mem>>) {add = true}
    %scan3A_74 = arith.constant 0 : i32
    %scan3A_75 = arith.constant 0 : i32
    %scan3A_76 = arith.constant 63 : i32
    %scan3A_77 = arith.addi %scan3A_75, %scan3A_76 : i32
    %scan3A_78 = arith.constant 1 : i32
    scf.for %scan3A_87 = %scan3A_75 to %scan3A_77 step %scan3A_78  : i32 {
      %mul3A_88 = arith.constant 2 : i32
      %mul3A_89 = arith.muli %mul3A_88, %scan3A_87 : i32
      %dma_wait3A_90 = arith.constant 0 : i32
      %dma_wait3A_91 = arith.constant 0 : i32
      %dma_wait3A_92 = tpu.memref_slice %arg16[%dma_wait3A_90, %dma_wait3A_91] : memref<10000x128xf32, #tpu.memory_space<vmem_shared>> -> memref<10000x128xf32, #tpu.memory_space<vmem_shared>>
      tpu.wait_indirect_dma semaphore(%arg21 : memref<!tpu.dma_semaphore, #tpu.memory_space<semaphore_mem>>) src(%arg12 : memref<80x128xf32, #tpu.memory_space<vmem>>) dst(%dma_wait3A_92 : memref<10000x128xf32, #tpu.memory_space<vmem_shared>>)
      %dma_wait3A_93 = arith.constant 0 : i32
      %dma_wait3A_94 = arith.constant 0 : i32
      %dma_wait3A_95 = tpu.memref_slice %arg16[%dma_wait3A_93, %dma_wait3A_94] : memref<10000x128xf32, #tpu.memory_space<vmem_shared>> -> memref<10000x128xf32, #tpu.memory_space<vmem_shared>>
      tpu.wait_indirect_dma semaphore(%arg22 : memref<!tpu.dma_semaphore, #tpu.memory_space<semaphore_mem>>) src(%arg13 : memref<80x128xf32, #tpu.memory_space<vmem>>) dst(%dma_wait3A_95 : memref<10000x128xf32, #tpu.memory_space<vmem_shared>>)
      %add3A_96 = arith.constant 2 : i32
      %add3A_97 = arith.addi %mul3A_89, %add3A_96 : i32
      %lt3A = arith.constant 125 : i32
      %lt3A_98 = arith.cmpi slt, %add3A_97, %lt3A : i32
      %convert_element_type3A = arith.extui %lt3A_98 : i1 to i32
      %cond3A = arith.constant 0 : i32
      %cond3A_99 = arith.cmpi ne, %convert_element_type3A, %cond3A : i32
      scf.if %cond3A_99 {
        %add3A_128 = arith.constant 2 : i32
        %add3A_129 = arith.addi %mul3A_89, %add3A_128 : i32
        %mul3A_130 = arith.constant 80 : i32
        %mul3A_131 = arith.muli %add3A_129, %mul3A_130 : i32
        %add3A_132 = arith.addi %mul3A_7, %mul3A_131 : i32
        %dma_start3A_133 = tpu.memref_slice %arg4[%add3A_132] : memref<320000xi32, #tpu.memory_space<hbm>> -> memref<80xi32, #tpu.memory_space<hbm>>
        %dma_start3A_134 = tpu.memref_slice %arg4[%add3A_132] : memref<320000xi32, #tpu.memory_space<hbm>> -> memref<80xi32, #tpu.memory_space<hbm>>
        tpu.enqueue_dma source(%dma_start3A_134 : memref<80xi32, #tpu.memory_space<hbm>>) target(%arg8 : memref<80xi32, #tpu.memory_space<vmem>>) target_semaphore(%arg17 : memref<!tpu.dma_semaphore, #tpu.memory_space<semaphore_mem>>)
        %dma_start3A_135 = tpu.memref_slice %arg5[%add3A_132] : memref<320000xi32, #tpu.memory_space<hbm>> -> memref<80xi32, #tpu.memory_space<hbm>>
        %dma_start3A_136 = tpu.memref_slice %arg5[%add3A_132] : memref<320000xi32, #tpu.memory_space<hbm>> -> memref<80xi32, #tpu.memory_space<hbm>>
        tpu.enqueue_dma source(%dma_start3A_136 : memref<80xi32, #tpu.memory_space<hbm>>) target(%arg9 : memref<80xi32, #tpu.memory_space<vmem>>) target_semaphore(%arg18 : memref<!tpu.dma_semaphore, #tpu.memory_space<semaphore_mem>>)
        %dma_start3A_137 = arith.constant 0 : i32
        %dma_start3A_138 = tpu.memref_slice %arg2[%add3A_132, %dma_start3A_137] : memref<320000x128xf32, #tpu.memory_space<hbm>> -> memref<80x128xf32, #tpu.memory_space<hbm>>
        %dma_start3A_139 = arith.constant 0 : i32
        %dma_start3A_140 = tpu.memref_slice %arg2[%add3A_132, %dma_start3A_139] : memref<320000x128xf32, #tpu.memory_space<hbm>> -> memref<80x128xf32, #tpu.memory_space<hbm>>
        tpu.enqueue_dma source(%dma_start3A_140 : memref<80x128xf32, #tpu.memory_space<hbm>>) target(%arg12 : memref<80x128xf32, #tpu.memory_space<vmem>>) target_semaphore(%arg19 : memref<!tpu.dma_semaphore, #tpu.memory_space<semaphore_mem>>)
        %dma_start3A_141 = arith.constant 0 : i32
        %dma_start3A_142 = tpu.memref_slice %arg3[%add3A_132, %dma_start3A_141] : memref<320000x128xf32, #tpu.memory_space<hbm>> -> memref<80x128xf32, #tpu.memory_space<hbm>>
        %dma_start3A_143 = arith.constant 0 : i32
        %dma_start3A_144 = tpu.memref_slice %arg3[%add3A_132, %dma_start3A_143] : memref<320000x128xf32, #tpu.memory_space<hbm>> -> memref<80x128xf32, #tpu.memory_space<hbm>>
        tpu.enqueue_dma source(%dma_start3A_144 : memref<80x128xf32, #tpu.memory_space<hbm>>) target(%arg13 : memref<80x128xf32, #tpu.memory_space<vmem>>) target_semaphore(%arg20 : memref<!tpu.dma_semaphore, #tpu.memory_space<semaphore_mem>>)
      } else {
      }
      %add3A_100 = arith.constant 1 : i32
      %add3A_101 = arith.addi %mul3A_89, %add3A_100 : i32
      %lt3A_102 = arith.constant 125 : i32
      %lt3A_103 = arith.cmpi slt, %add3A_101, %lt3A_102 : i32
      %convert_element_type3A_104 = arith.extui %lt3A_103 : i1 to i32
      %cond3A_105 = arith.constant 0 : i32
      %cond3A_106 = arith.cmpi ne, %convert_element_type3A_104, %cond3A_105 : i32
      scf.if %cond3A_106 {
        %add3A_128 = arith.constant 1 : i32
        %add3A_129 = arith.addi %mul3A_89, %add3A_128 : i32
        %dma_wait3A_130 = arith.constant 0 : i32
        %dma_wait3A_131 = arith.constant 0 : i32
        %dma_wait3A_132 = tpu.memref_slice %arg16[%dma_wait3A_130, %dma_wait3A_131] : memref<10000x128xf32, #tpu.memory_space<vmem_shared>> -> memref<10000x128xf32, #tpu.memory_space<vmem_shared>>
        tpu.wait_indirect_dma semaphore(%arg27 : memref<!tpu.dma_semaphore, #tpu.memory_space<semaphore_mem>>) src(%arg14 : memref<80x128xf32, #tpu.memory_space<vmem>>) dst(%dma_wait3A_132 : memref<10000x128xf32, #tpu.memory_space<vmem_shared>>)
        %dma_wait3A_133 = arith.constant 0 : i32
        %dma_wait3A_134 = arith.constant 0 : i32
        %dma_wait3A_135 = tpu.memref_slice %arg16[%dma_wait3A_133, %dma_wait3A_134] : memref<10000x128xf32, #tpu.memory_space<vmem_shared>> -> memref<10000x128xf32, #tpu.memory_space<vmem_shared>>
        tpu.wait_indirect_dma semaphore(%arg28 : memref<!tpu.dma_semaphore, #tpu.memory_space<semaphore_mem>>) src(%arg15 : memref<80x128xf32, #tpu.memory_space<vmem>>) dst(%dma_wait3A_135 : memref<10000x128xf32, #tpu.memory_space<vmem_shared>>)
      } else {
      }
      %add3A_107 = arith.constant 3 : i32
      %add3A_108 = arith.addi %mul3A_89, %add3A_107 : i32
      %lt3A_109 = arith.constant 125 : i32
      %lt3A_110 = arith.cmpi slt, %add3A_108, %lt3A_109 : i32
      %convert_element_type3A_111 = arith.extui %lt3A_110 : i1 to i32
      %cond3A_112 = arith.constant 0 : i32
      %cond3A_113 = arith.cmpi ne, %convert_element_type3A_111, %cond3A_112 : i32
      scf.if %cond3A_113 {
        %add3A_128 = arith.constant 3 : i32
        %add3A_129 = arith.addi %mul3A_89, %add3A_128 : i32
        %mul3A_130 = arith.constant 80 : i32
        %mul3A_131 = arith.muli %add3A_129, %mul3A_130 : i32
        %add3A_132 = arith.addi %mul3A_7, %mul3A_131 : i32
        %dma_start3A_133 = tpu.memref_slice %arg4[%add3A_132] : memref<320000xi32, #tpu.memory_space<hbm>> -> memref<80xi32, #tpu.memory_space<hbm>>
        %dma_start3A_134 = tpu.memref_slice %arg4[%add3A_132] : memref<320000xi32, #tpu.memory_space<hbm>> -> memref<80xi32, #tpu.memory_space<hbm>>
        tpu.enqueue_dma source(%dma_start3A_134 : memref<80xi32, #tpu.memory_space<hbm>>) target(%arg10 : memref<80xi32, #tpu.memory_space<vmem>>) target_semaphore(%arg23 : memref<!tpu.dma_semaphore, #tpu.memory_space<semaphore_mem>>)
        %dma_start3A_135 = tpu.memref_slice %arg5[%add3A_132] : memref<320000xi32, #tpu.memory_space<hbm>> -> memref<80xi32, #tpu.memory_space<hbm>>
        %dma_start3A_136 = tpu.memref_slice %arg5[%add3A_132] : memref<320000xi32, #tpu.memory_space<hbm>> -> memref<80xi32, #tpu.memory_space<hbm>>
        tpu.enqueue_dma source(%dma_start3A_136 : memref<80xi32, #tpu.memory_space<hbm>>) target(%arg11 : memref<80xi32, #tpu.memory_space<vmem>>) target_semaphore(%arg24 : memref<!tpu.dma_semaphore, #tpu.memory_space<semaphore_mem>>)
        %dma_start3A_137 = arith.constant 0 : i32
        %dma_start3A_138 = tpu.memref_slice %arg2[%add3A_132, %dma_start3A_137] : memref<320000x128xf32, #tpu.memory_space<hbm>> -> memref<80x128xf32, #tpu.memory_space<hbm>>
        %dma_start3A_139 = arith.constant 0 : i32
        %dma_start3A_140 = tpu.memref_slice %arg2[%add3A_132, %dma_start3A_139] : memref<320000x128xf32, #tpu.memory_space<hbm>> -> memref<80x128xf32, #tpu.memory_space<hbm>>
        tpu.enqueue_dma source(%dma_start3A_140 : memref<80x128xf32, #tpu.memory_space<hbm>>) target(%arg14 : memref<80x128xf32, #tpu.memory_space<vmem>>) target_semaphore(%arg25 : memref<!tpu.dma_semaphore, #tpu.memory_space<semaphore_mem>>)
        %dma_start3A_141 = arith.constant 0 : i32
        %dma_start3A_142 = tpu.memref_slice %arg3[%add3A_132, %dma_start3A_141] : memref<320000x128xf32, #tpu.memory_space<hbm>> -> memref<80x128xf32, #tpu.memory_space<hbm>>
        %dma_start3A_143 = arith.constant 0 : i32
        %dma_start3A_144 = tpu.memref_slice %arg3[%add3A_132, %dma_start3A_143] : memref<320000x128xf32, #tpu.memory_space<hbm>> -> memref<80x128xf32, #tpu.memory_space<hbm>>
        tpu.enqueue_dma source(%dma_start3A_144 : memref<80x128xf32, #tpu.memory_space<hbm>>) target(%arg15 : memref<80x128xf32, #tpu.memory_space<vmem>>) target_semaphore(%arg26 : memref<!tpu.dma_semaphore, #tpu.memory_space<semaphore_mem>>)
      } else {
      }
      %add3A_114 = arith.constant 2 : i32
      %add3A_115 = arith.addi %mul3A_89, %add3A_114 : i32
      %lt3A_116 = arith.constant 125 : i32
      %lt3A_117 = arith.cmpi slt, %add3A_115, %lt3A_116 : i32
      %convert_element_type3A_118 = arith.extui %lt3A_117 : i1 to i32
      %cond3A_119 = arith.constant 0 : i32
      %cond3A_120 = arith.cmpi ne, %convert_element_type3A_118, %cond3A_119 : i32
      scf.if %cond3A_120 {
        %add3A_128 = arith.constant 2 : i32
        %add3A_129 = arith.addi %mul3A_89, %add3A_128 : i32
        %mul3A_130 = arith.constant 80 : i32
        %mul3A_131 = arith.muli %add3A_129, %mul3A_130 : i32
        %add3A_132 = arith.addi %mul3A_7, %mul3A_131 : i32
        %dma_wait3A_133 = tpu.memref_slice %arg4[%add3A_132] : memref<320000xi32, #tpu.memory_space<hbm>> -> memref<80xi32, #tpu.memory_space<hbm>>
        %dma_wait3A_134 = tpu.memref_slice %arg4[%add3A_132] : memref<320000xi32, #tpu.memory_space<hbm>> -> memref<80xi32, #tpu.memory_space<hbm>>
        tpu.wait_dma2 semaphore(%arg17 : memref<!tpu.dma_semaphore, #tpu.memory_space<semaphore_mem>>) src(%dma_wait3A_134 : memref<80xi32, #tpu.memory_space<hbm>>) dst(%arg8 : memref<80xi32, #tpu.memory_space<vmem>>)
        %dma_wait3A_135 = tpu.memref_slice %arg5[%add3A_132] : memref<320000xi32, #tpu.memory_space<hbm>> -> memref<80xi32, #tpu.memory_space<hbm>>
        %dma_wait3A_136 = tpu.memref_slice %arg5[%add3A_132] : memref<320000xi32, #tpu.memory_space<hbm>> -> memref<80xi32, #tpu.memory_space<hbm>>
        tpu.wait_dma2 semaphore(%arg18 : memref<!tpu.dma_semaphore, #tpu.memory_space<semaphore_mem>>) src(%dma_wait3A_136 : memref<80xi32, #tpu.memory_space<hbm>>) dst(%arg9 : memref<80xi32, #tpu.memory_space<vmem>>)
        %dma_wait3A_137 = arith.constant 0 : i32
        %dma_wait3A_138 = tpu.memref_slice %arg2[%add3A_132, %dma_wait3A_137] : memref<320000x128xf32, #tpu.memory_space<hbm>> -> memref<80x128xf32, #tpu.memory_space<hbm>>
        %dma_wait3A_139 = arith.constant 0 : i32
        %dma_wait3A_140 = tpu.memref_slice %arg2[%add3A_132, %dma_wait3A_139] : memref<320000x128xf32, #tpu.memory_space<hbm>> -> memref<80x128xf32, #tpu.memory_space<hbm>>
        tpu.wait_dma2 semaphore(%arg19 : memref<!tpu.dma_semaphore, #tpu.memory_space<semaphore_mem>>) src(%dma_wait3A_140 : memref<80x128xf32, #tpu.memory_space<hbm>>) dst(%arg12 : memref<80x128xf32, #tpu.memory_space<vmem>>)
        %dma_wait3A_141 = arith.constant 0 : i32
        %dma_wait3A_142 = tpu.memref_slice %arg3[%add3A_132, %dma_wait3A_141] : memref<320000x128xf32, #tpu.memory_space<hbm>> -> memref<80x128xf32, #tpu.memory_space<hbm>>
        %dma_wait3A_143 = arith.constant 0 : i32
        %dma_wait3A_144 = tpu.memref_slice %arg3[%add3A_132, %dma_wait3A_143] : memref<320000x128xf32, #tpu.memory_space<hbm>> -> memref<80x128xf32, #tpu.memory_space<hbm>>
        tpu.wait_dma2 semaphore(%arg20 : memref<!tpu.dma_semaphore, #tpu.memory_space<semaphore_mem>>) src(%dma_wait3A_144 : memref<80x128xf32, #tpu.memory_space<hbm>>) dst(%arg13 : memref<80x128xf32, #tpu.memory_space<vmem>>)
        %dma_start3A_145 = arith.constant 0 : i32
        %dma_start3A_146 = arith.constant 0 : i32
        %dma_start3A_147 = tpu.memref_slice %arg16[%dma_start3A_145, %dma_start3A_146] : memref<10000x128xf32, #tpu.memory_space<vmem_shared>> -> memref<10000x128xf32, #tpu.memory_space<vmem_shared>>
        tpu.enqueue_indirect_dma source(%arg12 : memref<80x128xf32, #tpu.memory_space<vmem>>) target(%dma_start3A_147 : memref<10000x128xf32, #tpu.memory_space<vmem_shared>>) offsets(%arg9 : memref<80xi32, #tpu.memory_space<vmem>>) semaphore(%arg21 : memref<!tpu.dma_semaphore, #tpu.memory_space<semaphore_mem>>) {add = true}
        %dma_start3A_148 = arith.constant 0 : i32
        %dma_start3A_149 = arith.constant 0 : i32
        %dma_start3A_150 = tpu.memref_slice %arg16[%dma_start3A_148, %dma_start3A_149] : memref<10000x128xf32, #tpu.memory_space<vmem_shared>> -> memref<10000x128xf32, #tpu.memory_space<vmem_shared>>
        tpu.enqueue_indirect_dma source(%arg13 : memref<80x128xf32, #tpu.memory_space<vmem>>) target(%dma_start3A_150 : memref<10000x128xf32, #tpu.memory_space<vmem_shared>>) offsets(%arg8 : memref<80xi32, #tpu.memory_space<vmem>>) semaphore(%arg22 : memref<!tpu.dma_semaphore, #tpu.memory_space<semaphore_mem>>) {add = true}
      } else {
      }
      %add3A_121 = arith.constant 3 : i32
      %add3A_122 = arith.addi %mul3A_89, %add3A_121 : i32
      %lt3A_123 = arith.constant 125 : i32
      %lt3A_124 = arith.cmpi slt, %add3A_122, %lt3A_123 : i32
      %convert_element_type3A_125 = arith.extui %lt3A_124 : i1 to i32
      %cond3A_126 = arith.constant 0 : i32
      %cond3A_127 = arith.cmpi ne, %convert_element_type3A_125, %cond3A_126 : i32
      scf.if %cond3A_127 {
        %add3A_128 = arith.constant 3 : i32
        %add3A_129 = arith.addi %mul3A_89, %add3A_128 : i32
        %mul3A_130 = arith.constant 80 : i32
        %mul3A_131 = arith.muli %add3A_129, %mul3A_130 : i32
        %add3A_132 = arith.addi %mul3A_7, %mul3A_131 : i32
        %dma_wait3A_133 = tpu.memref_slice %arg4[%add3A_132] : memref<320000xi32, #tpu.memory_space<hbm>> -> memref<80xi32, #tpu.memory_space<hbm>>
        %dma_wait3A_134 = tpu.memref_slice %arg4[%add3A_132] : memref<320000xi32, #tpu.memory_space<hbm>> -> memref<80xi32, #tpu.memory_space<hbm>>
        tpu.wait_dma2 semaphore(%arg23 : memref<!tpu.dma_semaphore, #tpu.memory_space<semaphore_mem>>) src(%dma_wait3A_134 : memref<80xi32, #tpu.memory_space<hbm>>) dst(%arg10 : memref<80xi32, #tpu.memory_space<vmem>>)
        %dma_wait3A_135 = tpu.memref_slice %arg5[%add3A_132] : memref<320000xi32, #tpu.memory_space<hbm>> -> memref<80xi32, #tpu.memory_space<hbm>>
        %dma_wait3A_136 = tpu.memref_slice %arg5[%add3A_132] : memref<320000xi32, #tpu.memory_space<hbm>> -> memref<80xi32, #tpu.memory_space<hbm>>
        tpu.wait_dma2 semaphore(%arg24 : memref<!tpu.dma_semaphore, #tpu.memory_space<semaphore_mem>>) src(%dma_wait3A_136 : memref<80xi32, #tpu.memory_space<hbm>>) dst(%arg11 : memref<80xi32, #tpu.memory_space<vmem>>)
        %dma_wait3A_137 = arith.constant 0 : i32
        %dma_wait3A_138 = tpu.memref_slice %arg2[%add3A_132, %dma_wait3A_137] : memref<320000x128xf32, #tpu.memory_space<hbm>> -> memref<80x128xf32, #tpu.memory_space<hbm>>
        %dma_wait3A_139 = arith.constant 0 : i32
        %dma_wait3A_140 = tpu.memref_slice %arg2[%add3A_132, %dma_wait3A_139] : memref<320000x128xf32, #tpu.memory_space<hbm>> -> memref<80x128xf32, #tpu.memory_space<hbm>>
        tpu.wait_dma2 semaphore(%arg25 : memref<!tpu.dma_semaphore, #tpu.memory_space<semaphore_mem>>) src(%dma_wait3A_140 : memref<80x128xf32, #tpu.memory_space<hbm>>) dst(%arg14 : memref<80x128xf32, #tpu.memory_space<vmem>>)
        %dma_wait3A_141 = arith.constant 0 : i32
        %dma_wait3A_142 = tpu.memref_slice %arg3[%add3A_132, %dma_wait3A_141] : memref<320000x128xf32, #tpu.memory_space<hbm>> -> memref<80x128xf32, #tpu.memory_space<hbm>>
        %dma_wait3A_143 = arith.constant 0 : i32
        %dma_wait3A_144 = tpu.memref_slice %arg3[%add3A_132, %dma_wait3A_143] : memref<320000x128xf32, #tpu.memory_space<hbm>> -> memref<80x128xf32, #tpu.memory_space<hbm>>
        tpu.wait_dma2 semaphore(%arg26 : memref<!tpu.dma_semaphore, #tpu.memory_space<semaphore_mem>>) src(%dma_wait3A_144 : memref<80x128xf32, #tpu.memory_space<hbm>>) dst(%arg15 : memref<80x128xf32, #tpu.memory_space<vmem>>)
        %dma_start3A_145 = arith.constant 0 : i32
        %dma_start3A_146 = arith.constant 0 : i32
        %dma_start3A_147 = tpu.memref_slice %arg16[%dma_start3A_145, %dma_start3A_146] : memref<10000x128xf32, #tpu.memory_space<vmem_shared>> -> memref<10000x128xf32, #tpu.memory_space<vmem_shared>>
        tpu.enqueue_indirect_dma source(%arg14 : memref<80x128xf32, #tpu.memory_space<vmem>>) target(%dma_start3A_147 : memref<10000x128xf32, #tpu.memory_space<vmem_shared>>) offsets(%arg11 : memref<80xi32, #tpu.memory_space<vmem>>) semaphore(%arg27 : memref<!tpu.dma_semaphore, #tpu.memory_space<semaphore_mem>>) {add = true}
        %dma_start3A_148 = arith.constant 0 : i32
        %dma_start3A_149 = arith.constant 0 : i32
        %dma_start3A_150 = tpu.memref_slice %arg16[%dma_start3A_148, %dma_start3A_149] : memref<10000x128xf32, #tpu.memory_space<vmem_shared>> -> memref<10000x128xf32, #tpu.memory_space<vmem_shared>>
        tpu.enqueue_indirect_dma source(%arg15 : memref<80x128xf32, #tpu.memory_space<vmem>>) target(%dma_start3A_150 : memref<10000x128xf32, #tpu.memory_space<vmem_shared>>) offsets(%arg10 : memref<80xi32, #tpu.memory_space<vmem>>) semaphore(%arg28 : memref<!tpu.dma_semaphore, #tpu.memory_space<semaphore_mem>>) {add = true}
      } else {
      }
    }
    %scan3A_79 = arith.constant 63 : i32
    %barrier3A_80 = arith.constant 0 : index
    tpu.barrier barrier_id(%barrier3A_80)
    %scan3A_81 = arith.constant 0 : i32
    %scan3A_82 = arith.constant 0 : i32
    %scan3A_83 = arith.constant 8 : i32
    %scan3A_84 = arith.addi %scan3A_82, %scan3A_83 : i32
    %scan3A_85 = arith.constant 1 : i32
    scf.for %scan3A_87 = %scan3A_82 to %scan3A_84 step %scan3A_85  : i32 {
      %mul3A_88 = arith.constant 16 : i32
      %mul3A_89 = arith.muli %scan3A_87, %mul3A_88 : i32
      %add3A_90 = arith.addi %mul3A_89, %arg1 : i32
      %lt3A = arith.constant 125 : i32
      %lt3A_91 = arith.cmpi slt, %add3A_90, %lt3A : i32
      %convert_element_type3A = arith.extui %lt3A_91 : i1 to i32
      %cond3A = arith.constant 0 : i32
      %cond3A_92 = arith.cmpi ne, %convert_element_type3A, %cond3A : i32
      scf.if %cond3A_92 {
        %mul3A_93 = arith.constant 80 : i32
        %mul3A_94 = arith.muli %add3A_90, %mul3A_93 : i32
        "tpu.region"() ({
          %run_scoped3A = tpu.sem_alloc : memref<!tpu.dma_semaphore, #tpu.memory_space<semaphore_mem>>
          %dma_start3A_95 = arith.constant 0 : i32
          %dma_start3A_96 = tpu.memref_slice %arg16[%mul3A_94, %dma_start3A_95] : memref<10000x128xf32, #tpu.memory_space<vmem_shared>> -> memref<80x128xf32, #tpu.memory_space<vmem_shared>>
          %dma_start3A_97 = arith.constant 0 : i32
          %dma_start3A_98 = tpu.memref_slice %arg16[%mul3A_94, %dma_start3A_97] : memref<10000x128xf32, #tpu.memory_space<vmem_shared>> -> memref<80x128xf32, #tpu.memory_space<vmem_shared>>
          tpu.enqueue_dma source(%dma_start3A_98 : memref<80x128xf32, #tpu.memory_space<vmem_shared>>) target(%arg12 : memref<80x128xf32, #tpu.memory_space<vmem>>) target_semaphore(%run_scoped3A : memref<!tpu.dma_semaphore, #tpu.memory_space<semaphore_mem>>)
          %dma_wait3A_99 = arith.constant 0 : i32
          %dma_wait3A_100 = tpu.memref_slice %arg16[%mul3A_94, %dma_wait3A_99] : memref<10000x128xf32, #tpu.memory_space<vmem_shared>> -> memref<80x128xf32, #tpu.memory_space<vmem_shared>>
          %dma_wait3A_101 = arith.constant 0 : i32
          %dma_wait3A_102 = tpu.memref_slice %arg16[%mul3A_94, %dma_wait3A_101] : memref<10000x128xf32, #tpu.memory_space<vmem_shared>> -> memref<80x128xf32, #tpu.memory_space<vmem_shared>>
          tpu.wait_dma2 semaphore(%run_scoped3A : memref<!tpu.dma_semaphore, #tpu.memory_space<semaphore_mem>>) src(%dma_wait3A_102 : memref<80x128xf32, #tpu.memory_space<vmem_shared>>) dst(%arg12 : memref<80x128xf32, #tpu.memory_space<vmem>>)
          tpu.yield
        }) : () -> ()
        "tpu.region"() ({
          %run_scoped3A = tpu.sem_alloc : memref<!tpu.dma_semaphore, #tpu.memory_space<semaphore_mem>>
          %dma_start3A_95 = arith.constant 0 : i32
          %dma_start3A_96 = tpu.memref_slice %arg7[%arg0, %mul3A_94, %dma_start3A_95] : memref<2x10000x128xf32, #tpu.memory_space<hbm>> -> memref<1x80x128xf32, #tpu.memory_space<hbm>>
          %dma_start3A_97 = tpu.memref_squeeze %dma_start3A_96 : memref<1x80x128xf32, #tpu.memory_space<hbm>> -> memref<80x128xf32, #tpu.memory_space<hbm>>
          %dma_start3A_98 = arith.constant 0 : i32
          %dma_start3A_99 = tpu.memref_slice %arg7[%arg0, %mul3A_94, %dma_start3A_98] : memref<2x10000x128xf32, #tpu.memory_space<hbm>> -> memref<1x80x128xf32, #tpu.memory_space<hbm>>
          %dma_start3A_100 = tpu.memref_squeeze %dma_start3A_99 : memref<1x80x128xf32, #tpu.memory_space<hbm>> -> memref<80x128xf32, #tpu.memory_space<hbm>>
          tpu.enqueue_dma source(%arg12 : memref<80x128xf32, #tpu.memory_space<vmem>>) target(%dma_start3A_100 : memref<80x128xf32, #tpu.memory_space<hbm>>) target_semaphore(%run_scoped3A : memref<!tpu.dma_semaphore, #tpu.memory_space<semaphore_mem>>)
          %dma_wait3A_101 = arith.constant 0 : i32
          %dma_wait3A_102 = tpu.memref_slice %arg7[%arg0, %mul3A_94, %dma_wait3A_101] : memref<2x10000x128xf32, #tpu.memory_space<hbm>> -> memref<1x80x128xf32, #tpu.memory_space<hbm>>
          %dma_wait3A_103 = tpu.memref_squeeze %dma_wait3A_102 : memref<1x80x128xf32, #tpu.memory_space<hbm>> -> memref<80x128xf32, #tpu.memory_space<hbm>>
          %dma_wait3A_104 = arith.constant 0 : i32
          %dma_wait3A_105 = tpu.memref_slice %arg7[%arg0, %mul3A_94, %dma_wait3A_104] : memref<2x10000x128xf32, #tpu.memory_space<hbm>> -> memref<1x80x128xf32, #tpu.memory_space<hbm>>
          %dma_wait3A_106 = tpu.memref_squeeze %dma_wait3A_105 : memref<1x80x128xf32, #tpu.memory_space<hbm>> -> memref<80x128xf32, #tpu.memory_space<hbm>>
          tpu.wait_dma2 semaphore(%run_scoped3A : memref<!tpu.dma_semaphore, #tpu.memory_space<semaphore_mem>>) src(%arg12 : memref<80x128xf32, #tpu.memory_space<vmem>>) dst(%dma_wait3A_106 : memref<80x128xf32, #tpu.memory_space<hbm>>)
          tpu.yield
        }) : () -> ()
      } else {
      }
    }
    %scan3A_86 = arith.constant 8 : i32
    return
  }
}

module attributes {stable_mosaic.version = 14 : i64} {
  func.func @_msg_body(%arg0: i32, %arg1: memref<4000x128xf32, #tpu.memory_space<vmem>>, %arg2: memref<4000x128xf32, #tpu.memory_space<vmem>>, %arg3: memref<4000x128xf32, #tpu.memory_space<vmem>>, %arg4: memref<4000x128xf32, #tpu.memory_space<vmem>>, %arg5: memref<128x512xf32, #tpu.memory_space<vmem>>, %arg6: memref<1x128xf32, #tpu.memory_space<vmem>>, %arg7: memref<128x512xf32, #tpu.memory_space<vmem>>, %arg8: memref<1x128xf32, #tpu.memory_space<vmem>>, %arg9: memref<4000x128xf32, #tpu.memory_space<vmem>>, %arg10: memref<4000x128xf32, #tpu.memory_space<vmem>>) attributes {dimension_semantics = [#tpu.dimension_semantics<arbitrary>], iteration_bounds = array<i64: 80>, scalar_prefetch = 0 : i64, scratch_operands = 0 : i64, tpu.core_type = #tpu.core_type<tc>, window_params = [{transform_indices = @transform_0, window_bounds = array<i64: 4000, 128>}, {transform_indices = @transform_1, window_bounds = array<i64: 4000, 128>}, {transform_indices = @transform_2, window_bounds = array<i64: 4000, 128>}, {transform_indices = @transform_3, window_bounds = array<i64: 4000, 128>}, {pipeline_mode = #tpu.pipeline_mode<synchronous>, transform_indices = @transform_4, window_bounds = array<i64: 128, 512>}, {pipeline_mode = #tpu.pipeline_mode<synchronous>, transform_indices = @transform_5, window_bounds = array<i64: 1, 128>}, {pipeline_mode = #tpu.pipeline_mode<synchronous>, transform_indices = @transform_6, window_bounds = array<i64: 128, 512>}, {pipeline_mode = #tpu.pipeline_mode<synchronous>, transform_indices = @transform_7, window_bounds = array<i64: 1, 128>}, {transform_indices = @transform_8, window_bounds = array<i64: 4000, 128>}, {transform_indices = @transform_9, window_bounds = array<i64: 4000, 128>}]} {
    %get3A = arith.constant 0 : index
    %get3A_0 = arith.constant 0 : index
    %get3A_1 = vector.load %arg1[%get3A, %get3A_0] : memref<4000x128xf32, #tpu.memory_space<vmem>>, vector<4000x128xf32>
    %get3A_2 = arith.constant 0 : index
    %get3A_3 = arith.constant 0 : index
    %get3A_4 = vector.load %arg2[%get3A_2, %get3A_3] : memref<4000x128xf32, #tpu.memory_space<vmem>>, vector<4000x128xf32>
    %get3A_5 = arith.constant 0 : index
    %get3A_6 = arith.constant 0 : index
    %get3A_7 = vector.load %arg3[%get3A_5, %get3A_6] : memref<4000x128xf32, #tpu.memory_space<vmem>>, vector<4000x128xf32>
    %get3A_8 = arith.constant 0 : index
    %get3A_9 = arith.constant 0 : index
    %get3A_10 = vector.load %arg4[%get3A_8, %get3A_9] : memref<4000x128xf32, #tpu.memory_space<vmem>>, vector<4000x128xf32>
    %get3A_11 = arith.constant 0 : index
    %get3A_12 = arith.constant 0 : index
    %get3A_13 = vector.load %arg5[%get3A_11, %get3A_12] : memref<128x512xf32, #tpu.memory_space<vmem>>, vector<128x512xf32>
    %get3A_14 = arith.constant 0 : index
    %get3A_15 = arith.constant 0 : index
    %get3A_16 = vector.load %arg7[%get3A_14, %get3A_15] : memref<128x512xf32, #tpu.memory_space<vmem>>, vector<128x512xf32>
    %mul3A = arith.mulf %get3A_1, %get3A_10 : vector<4000x128xf32>
    %mul3A_17 = arith.mulf %get3A_7, %get3A_10 : vector<4000x128xf32>
    %concatenate3A = tpu.concatenate %get3A_1, %get3A_7, %mul3A, %mul3A_17 in 1 : vector<4000x128xf32>, vector<4000x128xf32>, vector<4000x128xf32>, vector<4000x128xf32> -> vector<4000x512xf32>
    %mul3A_18 = arith.mulf %get3A_4, %get3A_10 : vector<4000x128xf32>
    %mul3A_19 = arith.mulf %get3A_7, %get3A_10 : vector<4000x128xf32>
    %concatenate3A_20 = tpu.concatenate %get3A_4, %get3A_7, %mul3A_18, %mul3A_19 in 1 : vector<4000x128xf32>, vector<4000x128xf32>, vector<4000x128xf32>, vector<4000x128xf32> -> vector<4000x512xf32>
    %dot_general3A = arith.constant dense<0.000000e+00> : vector<4000x128xf32>
    %dot_general3A_21 = tpu.matmul %concatenate3A, %get3A_13, %dot_general3A {dimension_numbers = #tpu.dot_dimension_numbers<[1], [1], [0], [0], [0, 0, 1, 0], [], []>, transpose_lhs_hint = false} : vector<4000x512xf32>, vector<128x512xf32>, vector<4000x128xf32> -> vector<4000x128xf32>
    %get3A_22 = arith.constant 0 : index
    %get3A_23 = arith.constant 0 : index
    %get3A_24 = vector.load %arg6[%get3A_22, %get3A_23] : memref<1x128xf32, #tpu.memory_space<vmem>>, vector<1x128xf32>
    %add3A = vector.broadcast %get3A_24 : vector<1x128xf32> to vector<4000x128xf32>
    %add3A_25 = arith.addf %dot_general3A_21, %add3A : vector<4000x128xf32>
    %swap3A = arith.constant 0 : index
    %swap3A_26 = arith.constant 0 : index
    %swap3A_27 = vector.load %arg9[%swap3A, %swap3A_26] : memref<4000x128xf32, #tpu.memory_space<vmem>>, vector<4000x128xf32>
    tpu.vector_store %arg9[%swap3A, %swap3A_26], %add3A_25 {strides = array<i32>} : memref<4000x128xf32, #tpu.memory_space<vmem>>, vector<4000x128xf32>,
    %dot_general3A_28 = arith.constant dense<0.000000e+00> : vector<4000x128xf32>
    %dot_general3A_29 = tpu.matmul %concatenate3A_20, %get3A_16, %dot_general3A_28 {dimension_numbers = #tpu.dot_dimension_numbers<[1], [1], [0], [0], [0, 0, 1, 0], [], []>, transpose_lhs_hint = false} : vector<4000x512xf32>, vector<128x512xf32>, vector<4000x128xf32> -> vector<4000x128xf32>
    %get3A_30 = arith.constant 0 : index
    %get3A_31 = arith.constant 0 : index
    %get3A_32 = vector.load %arg8[%get3A_30, %get3A_31] : memref<1x128xf32, #tpu.memory_space<vmem>>, vector<1x128xf32>
    %add3A_33 = vector.broadcast %get3A_32 : vector<1x128xf32> to vector<4000x128xf32>
    %add3A_34 = arith.addf %dot_general3A_29, %add3A_33 : vector<4000x128xf32>
    %swap3A_35 = arith.constant 0 : index
    %swap3A_36 = arith.constant 0 : index
    %swap3A_37 = vector.load %arg10[%swap3A_35, %swap3A_36] : memref<4000x128xf32, #tpu.memory_space<vmem>>, vector<4000x128xf32>
    tpu.vector_store %arg10[%swap3A_35, %swap3A_36], %add3A_34 {strides = array<i32>} : memref<4000x128xf32, #tpu.memory_space<vmem>>, vector<4000x128xf32>,
    return
  }
  func.func @transform_0(%arg0: i32) -> (i32, i32) {
    %c0_i32 = arith.constant 0 : i32
    %c0_i32_0 = arith.constant 0 : i32
    return %arg0, %c0_i32 : i32, i32
  }
  func.func @transform_1(%arg0: i32) -> (i32, i32) {
    %c0_i32 = arith.constant 0 : i32
    %c0_i32_0 = arith.constant 0 : i32
    return %arg0, %c0_i32 : i32, i32
  }
  func.func @transform_2(%arg0: i32) -> (i32, i32) {
    %c0_i32 = arith.constant 0 : i32
    %c0_i32_0 = arith.constant 0 : i32
    return %arg0, %c0_i32 : i32, i32
  }
  func.func @transform_3(%arg0: i32) -> (i32, i32) {
    %c0_i32 = arith.constant 0 : i32
    %c0_i32_0 = arith.constant 0 : i32
    return %arg0, %c0_i32 : i32, i32
  }
  func.func @transform_4(%arg0: i32) -> (i32, i32) {
    %c0_i32 = arith.constant 0 : i32
    %c0_i32_0 = arith.constant 0 : i32
    %c0_i32_1 = arith.constant 0 : i32
    return %c0_i32, %c0_i32_0 : i32, i32
  }
  func.func @transform_5(%arg0: i32) -> (i32, i32) {
    %c0_i32 = arith.constant 0 : i32
    %c0_i32_0 = arith.constant 0 : i32
    %c0_i32_1 = arith.constant 0 : i32
    return %c0_i32, %c0_i32_0 : i32, i32
  }
  func.func @transform_6(%arg0: i32) -> (i32, i32) {
    %c0_i32 = arith.constant 0 : i32
    %c0_i32_0 = arith.constant 0 : i32
    %c0_i32_1 = arith.constant 0 : i32
    return %c0_i32, %c0_i32_0 : i32, i32
  }
  func.func @transform_7(%arg0: i32) -> (i32, i32) {
    %c0_i32 = arith.constant 0 : i32
    %c0_i32_0 = arith.constant 0 : i32
    %c0_i32_1 = arith.constant 0 : i32
    return %c0_i32, %c0_i32_0 : i32, i32
  }
  func.func @transform_8(%arg0: i32) -> (i32, i32) {
    %c0_i32 = arith.constant 0 : i32
    %c0_i32_0 = arith.constant 0 : i32
    return %arg0, %c0_i32 : i32, i32
  }
  func.func @transform_9(%arg0: i32) -> (i32, i32) {
    %c0_i32 = arith.constant 0 : i32
    %c0_i32_0 = arith.constant 0 : i32
    return %arg0, %c0_i32 : i32, i32
  }
}

module attributes {stable_mosaic.version = 14 : i64} {
  func.func @_epi_body(%arg0: i32, %arg1: memref<2x2000x128xf32, #tpu.memory_space<vmem>>, %arg2: memref<2000x32xf32, #tpu.memory_space<vmem>>, %arg3: memref<2000x128xf32, #tpu.memory_space<vmem>>, %arg4: memref<1x128xf32, #tpu.memory_space<vmem>>, %arg5: memref<1x128xf32, #tpu.memory_space<vmem>>, %arg6: memref<2000x128xf32, #tpu.memory_space<vmem>>) attributes {dimension_semantics = [#tpu.dimension_semantics<arbitrary>], iteration_bounds = array<i64: 5>, scalar_prefetch = 0 : i64, scratch_operands = 0 : i64, tpu.core_type = #tpu.core_type<tc>, window_params = [{transform_indices = @transform_0, window_bounds = array<i64: 2, 2000, 128>}, {transform_indices = @transform_1, window_bounds = array<i64: 2000, 32>}, {transform_indices = @transform_2, window_bounds = array<i64: 2000, 128>}, {pipeline_mode = #tpu.pipeline_mode<synchronous>, transform_indices = @transform_3, window_bounds = array<i64: 1, 128>}, {pipeline_mode = #tpu.pipeline_mode<synchronous>, transform_indices = @transform_4, window_bounds = array<i64: 1, 128>}, {transform_indices = @transform_5, window_bounds = array<i64: 2000, 128>}]} {
    %get3A = arith.constant 0 : index
    %get3A_0 = arith.constant 0 : index
    %get3A_1 = arith.constant 0 : index
    %get3A_2 = vector.load %arg1[%get3A, %get3A_0, %get3A_1] : memref<2x2000x128xf32, #tpu.memory_space<vmem>>, vector<1x2000x128xf32>
    %get3A_3 = vector.shape_cast %get3A_2 : vector<1x2000x128xf32> to vector<2000x128xf32>
    %get3A_4 = arith.constant 1 : index
    %get3A_5 = arith.constant 0 : index
    %get3A_6 = arith.constant 0 : index
    %get3A_7 = vector.load %arg1[%get3A_4, %get3A_5, %get3A_6] : memref<2x2000x128xf32, #tpu.memory_space<vmem>>, vector<1x2000x128xf32>
    %get3A_8 = vector.shape_cast %get3A_7 : vector<1x2000x128xf32> to vector<2000x128xf32>
    %add3A = arith.addf %get3A_3, %get3A_8 : vector<2000x128xf32>
    %get3A_9 = arith.constant 0 : index
    %get3A_10 = arith.constant 0 : index
    %get3A_11 = vector.load %arg2[%get3A_9, %get3A_10] : memref<2000x32xf32, #tpu.memory_space<vmem>>, vector<2000x32xf32>
    %reduce_sum3A = arith.constant dense<0.000000e+00> : vector<2000xf32>
    %reduce_sum3A_12 = vector.multi_reduction <add>, %get3A_11, %reduce_sum3A [1] : vector<2000x32xf32> to vector<2000xf32>
    %broadcast_in_dim3A = vector.shape_cast %reduce_sum3A_12 : vector<2000xf32> to vector<2000x1xf32>
    %div3A = vector.broadcast %broadcast_in_dim3A : vector<2000x1xf32> to vector<2000x128xf32>
    %div3A_13 = arith.divf %add3A, %div3A : vector<2000x128xf32>
    %ge3A = arith.constant 0.000000e+00 : f32
    %ge3A_14 = vector.broadcast %ge3A : f32 to vector<2000x128xf32>
    %ge3A_15 = arith.cmpf oge, %div3A_13, %ge3A_14 : vector<2000x128xf32>
    %mul3A = arith.constant 0.00999999977 : f32
    %mul3A_16 = vector.broadcast %mul3A : f32 to vector<2000x128xf32>
    %mul3A_17 = arith.mulf %mul3A_16, %div3A_13 : vector<2000x128xf32>
    %select_n3A = arith.select %ge3A_15, %div3A_13, %mul3A_17 : vector<2000x128xi1>, vector<2000x128xf32>
    %get3A_18 = arith.constant 0 : index
    %get3A_19 = arith.constant 0 : index
    %get3A_20 = vector.load %arg3[%get3A_18, %get3A_19] : memref<2000x128xf32, #tpu.memory_space<vmem>>, vector<2000x128xf32>
    %add3A_21 = arith.addf %select_n3A, %get3A_20 : vector<2000x128xf32>
    %reduce_sum3A_22 = arith.constant dense<0.000000e+00> : vector<2000xf32>
    %reduce_sum3A_23 = vector.multi_reduction <add>, %add3A_21, %reduce_sum3A_22 [1] : vector<2000x128xf32> to vector<2000xf32>
    %broadcast_in_dim3A_24 = vector.shape_cast %reduce_sum3A_23 : vector<2000xf32> to vector<2000x1xf32>
    %div3A_25 = arith.constant 1.280000e+02 : f32
    %div3A_26 = vector.broadcast %div3A_25 : f32 to vector<2000x1xf32>
    %div3A_27 = arith.divf %broadcast_in_dim3A_24, %div3A_26 : vector<2000x1xf32>
    %sub3A = vector.broadcast %div3A_27 : vector<2000x1xf32> to vector<2000x128xf32>
    %sub3A_28 = arith.subf %add3A_21, %sub3A : vector<2000x128xf32>
    %square3A = arith.mulf %sub3A_28, %sub3A_28 : vector<2000x128xf32>
    %reduce_sum3A_29 = arith.constant dense<0.000000e+00> : vector<2000xf32>
    %reduce_sum3A_30 = vector.multi_reduction <add>, %square3A, %reduce_sum3A_29 [1] : vector<2000x128xf32> to vector<2000xf32>
    %broadcast_in_dim3A_31 = vector.shape_cast %reduce_sum3A_30 : vector<2000xf32> to vector<2000x1xf32>
    %div3A_32 = arith.constant 1.280000e+02 : f32
    %div3A_33 = vector.broadcast %div3A_32 : f32 to vector<2000x1xf32>
    %div3A_34 = arith.divf %broadcast_in_dim3A_31, %div3A_33 : vector<2000x1xf32>
    %sub3A_35 = vector.broadcast %div3A_27 : vector<2000x1xf32> to vector<2000x128xf32>
    %sub3A_36 = arith.subf %add3A_21, %sub3A_35 : vector<2000x128xf32>
    %add3A_37 = arith.constant 9.99999974E-6 : f32
    %add3A_38 = vector.broadcast %add3A_37 : f32 to vector<2000x1xf32>
    %add3A_39 = arith.addf %div3A_34, %add3A_38 : vector<2000x1xf32>
    %rsqrt3A = math.rsqrt %add3A_39 : vector<2000x1xf32>
    %mul3A_40 = vector.broadcast %rsqrt3A : vector<2000x1xf32> to vector<2000x128xf32>
    %mul3A_41 = arith.mulf %sub3A_36, %mul3A_40 : vector<2000x128xf32>
    %get3A_42 = arith.constant 0 : index
    %get3A_43 = arith.constant 0 : index
    %get3A_44 = vector.load %arg4[%get3A_42, %get3A_43] : memref<1x128xf32, #tpu.memory_space<vmem>>, vector<1x128xf32>
    %mul3A_45 = vector.broadcast %get3A_44 : vector<1x128xf32> to vector<2000x128xf32>
    %mul3A_46 = arith.mulf %mul3A_41, %mul3A_45 : vector<2000x128xf32>
    %get3A_47 = arith.constant 0 : index
    %get3A_48 = arith.constant 0 : index
    %get3A_49 = vector.load %arg5[%get3A_47, %get3A_48] : memref<1x128xf32, #tpu.memory_space<vmem>>, vector<1x128xf32>
    %add3A_50 = vector.broadcast %get3A_49 : vector<1x128xf32> to vector<2000x128xf32>
    %add3A_51 = arith.addf %mul3A_46, %add3A_50 : vector<2000x128xf32>
    %swap3A = arith.constant 0 : index
    %swap3A_52 = arith.constant 0 : index
    %swap3A_53 = vector.load %arg6[%swap3A, %swap3A_52] : memref<2000x128xf32, #tpu.memory_space<vmem>>, vector<2000x128xf32>
    tpu.vector_store %arg6[%swap3A, %swap3A_52], %add3A_51 {strides = array<i32>} : memref<2000x128xf32, #tpu.memory_space<vmem>>, vector<2000x128xf32>,
    return
  }
  func.func @transform_0(%arg0: i32) -> (i32, i32, i32) {
    %c0_i32 = arith.constant 0 : i32
    %c0_i32_0 = arith.constant 0 : i32
    %c0_i32_1 = arith.constant 0 : i32
    return %c0_i32, %arg0, %c0_i32_0 : i32, i32, i32
  }
  func.func @transform_1(%arg0: i32) -> (i32, i32) {
    %c0_i32 = arith.constant 0 : i32
    %c0_i32_0 = arith.constant 0 : i32
    return %arg0, %c0_i32 : i32, i32
  }
  func.func @transform_2(%arg0: i32) -> (i32, i32) {
    %c0_i32 = arith.constant 0 : i32
    %c0_i32_0 = arith.constant 0 : i32
    return %arg0, %c0_i32 : i32, i32
  }
  func.func @transform_3(%arg0: i32) -> (i32, i32) {
    %c0_i32 = arith.constant 0 : i32
    %c0_i32_0 = arith.constant 0 : i32
    %c0_i32_1 = arith.constant 0 : i32
    return %c0_i32, %c0_i32_0 : i32, i32
  }
  func.func @transform_4(%arg0: i32) -> (i32, i32) {
    %c0_i32 = arith.constant 0 : i32
    %c0_i32_0 = arith.constant 0 : i32
    %c0_i32_1 = arith.constant 0 : i32
    return %c0_i32, %c0_i32_0 : i32, i32
  }
  func.func @transform_5(%arg0: i32) -> (i32, i32) {
    %c0_i32 = arith.constant 0 : i32
    %c0_i32_0 = arith.constant 0 : i32
    return %arg0, %c0_i32 : i32, i32
  }
}

</mosaic_0001>

<sc_bundles>
// kernel: kernel.6.cloned.1.call-start
scs
__scs_entry_jumppad:
0x0: {  	(pc) =	sbr.rel $0x88, $3  }
0x1: {  	(tag) =	ssettag $0x0;
	lr =	simm.s32 $0x1  }
0x2: {  	[smem:$0x3F97] =	sst lr;
	_ =	strace $0xD0000000  }
0x3: {  	_ = 	snop  }
0x4: {  	_ = 	snop  }
0x5: {  	_ = 	snop  }
0x6: {  	_ = 	snop  }
0x7: {  	_ = 	snop  }
__scs_overlays_trampoline_lowered:
0x8: {  	[smem:$0x3FA6] =	sst s0  }
0x9: {  	[smem:$0x3FA7] =	sst s1  }
0xa: {  	[smem:$0x3FA8] =	sst s2  }
0xb: {  	[smem:$0x3FA9] =	sst s3  }
0xc: {  	[smem:$0x3FAA] =	sst s4  }
0xd: {  	[smem:$0x3FAB] =	sst s5  }
0xe: {  	[smem:$0x3FAC] =	sst s6  }
0xf: {  	[smem:$0x3FAD] =	sst s7  }
0x10: {  	[smem:$0x3FAE] =	sst s8  }
0x11: {  	[smem:$0x3FAF] =	sst s9;
	s0 =	simm.s32 @!p0 $0x0  }
0x12: {  	s1 =	sld [smem:$0x3F95];
	s0 =	simm.s32 @p0 $0x1  }
0x13: {  	[smem:$0x3FB0] =	sst s0;
	s0 =	simm.s32 @!p1 $0x0  }
0x14: {  	s2 =	sld [smem:$0x3F94];
	s0 =	simm.s32 @p1 $0x1  }
0x15: {  	[smem:$0x3FB1] =	sst s0;
	s0 =	simm.s32 @!p2 $0x0  }
0x16: {  	s3 =	sld [smem:$0x3FDB];
	s0 =	simm.s32 @p2 $0x1  }
0x17: {  	s4 =	simm.s32 $0x1BF5;
	[smem:$0x3FB3] =	sst s0  }
0x18: {  	s0 =	sld [smem:$0x3F96];
	_ =	swait.ge [sflag:s4], $0x0  }
0x19: {  	s7 =	sld [smem:$0x3F97]  }
0x1a: {  	s8 =	sadd.s32 $0xFFFFE003, lr  }
0x1b: {  	s9 =	sadd.s32 $0xFFFFFEF7, lr;
	s5 =	simm.s32 $0xFFFFFFFF;
	p2 =	slt.u32 s8, $0xFFFFF086  }
0x1c: {  	p1 =	slt.u32 s9, $0xF7A;
	s5 =	simm.s32 @!p2 $0x0  }
0x1d: {  	s5 =	simm.s32 @p1 $0x1;
	p0 =	seq.s32 s7, s2  }
0x1e: {  	s7 =	smul.u32 @!p0 $0xF7A, s2;
	p2 =	seq.s32 @!p0 s5, $0x0  }
0x1f: {  	s9 =	smul.u32 $0xF7A, s1;
	s8 =	simm.s32 @!p0 $0x1BF5;
	p2 =	por !p2, p0  }
0x20: {  	[sflag:s8] =	ssyncset.s32 @!p0 $0xFFFFF086;
	s6 =	sadd.s32 @!p0 s3, s7;
	s7 =	simm.s32 @!p0 $0x108  }
0x21: {  	s3 =	sadd.s32 s3, s9;
	s6 =	sadd.s32 @!p0 $0x88, s6;
	s7 =	simm.s32 @p2 $0x1082  }
0x22: {  	[simem:s7], [sflag:s8] =	dma.local @!p0 [hbm:s6], $0xF7A  }
0x23: {  	s9 =	sor.u32 $0xD0000000, s2;
	s6 =	simm.s32 $0x108;
	_ =	swait.ge @!p0 [sflag:s8], $0x0  }
0x24: {  	s3 =	sadd.s32 $0x88, s3;
	s6 =	simm.s32 @!p1 $0x1082;
	[sflag:s4] =	ssyncset.s32 $0xFFFFF086  }
0x25: {  	[simem:s6], [sflag:s4] =	dma.local [hbm:s3], $0xF7A  }
0x26: {  	[smem:$0x3F97] =	sst s1;
	(tag) =	ssettag s2;
	_ =	strace s9  }
0x27: {  	s1 =	sld [smem:$0x3FA7]  }
0x28: {  	s2 =	sld [smem:$0x3FA8]  }
0x29: {  	s4 =	sld [smem:$0x3FAA]  }
0x2a: {  	p0 =	seq.s32 s5, $0x0;
	s5 =	sld [smem:$0x3FAB]  }
0x2b: {  	s6 =	sld [smem:$0x3FAC]  }
0x2c: {  	s7 =	sld [smem:$0x3FAD]  }
0x2d: {  	s3 =	simm.s32 $0x108;
	s8 =	sld [smem:$0x3FAE]  }
0x2e: {  	s3 =	simm.s32 @!p0 $0x1082;
	s9 =	sld [smem:$0x3FAF]  }
0x2f: {  	lr =	sadd.s32 s0, s3;
	s0 =	sld [smem:$0x3FA6]  }
0x30: {  	s3 =	sld [smem:$0x3FA9]  }
0x31: {  	[smem:$0x3FB2] =	sst s10  }
0x32: {  	s10 =	sld [smem:$0x3FB0];
	_ =	sdelay $0x3  }
0x33: {  	p0 =	seq.s32 s10, $0x1;
	s10 =	sld [smem:$0x3FB2];
	_ =	sdelay $0x3  }
0x34: {  	[smem:$0x3FB2] =	sst s10  }
0x35: {  	s10 =	sld [smem:$0x3FB1];
	_ =	sdelay $0x3  }
0x36: {  	p1 =	seq.s32 s10, $0x1;
	s10 =	sld [smem:$0x3FB2];
	_ =	sdelay $0x3  }
0x37: {  	[smem:$0x3FB2] =	sst s10  }
0x38: {  	s10 =	sld [smem:$0x3FB3]  }
0x39: {  	_ = 	snop;
	(pc) =	sbr.ind lr, $3  }
0x3a: {  	_ = 	snop  }
0x3b: {  	_ = 	snop  }
0x3c: {  	p2 =	seq.s32 s10, $0x1;
	s10 =	sld [smem:$0x3FB2]  }
0x3d: {  	_ =	shalt  }
0x3e: {  	_ =	shalt  }
0x3f: {  	_ =	shalt  }
0x40: {  	_ =	shalt  }
0x41: {  	_ =	shalt  }
0x42: {  	_ =	shalt  }
0x43: {  	_ =	shalt  }
0x44: {  	_ =	shalt  }
0x45: {  	_ =	shalt  }
0x46: {  	_ =	shalt  }
0x47: {  	_ =	shalt  }
0x48: {  	_ =	shalt  }
0x49: {  	_ =	shalt  }
0x4a: {  	_ =	shalt  }
0x4b: {  	_ =	shalt  }
0x4c: {  	_ =	shalt  }
0x4d: {  	_ =	shalt  }
0x4e: {  	_ =	shalt  }
0x4f: {  	_ =	shalt  }
0x50: {  	_ =	shalt  }
0x51: {  	_ =	shalt  }
0x52: {  	_ =	shalt  }
0x53: {  	_ =	shalt  }
0x54: {  	_ =	shalt  }
0x55: {  	_ =	shalt  }
0x56: {  	_ =	shalt  }
0x57: {  	_ =	shalt  }
0x58: {  	_ =	shalt  }
0x59: {  	_ =	shalt  }
0x5a: {  	_ =	shalt  }
0x5b: {  	_ =	shalt  }
0x5c: {  	_ =	shalt  }
0x5d: {  	_ =	shalt  }
0x5e: {  	_ =	shalt  }
0x5f: {  	_ =	shalt  }
0x60: {  	_ =	shalt  }
0x61: {  	_ =	shalt  }
0x62: {  	_ =	shalt  }
0x63: {  	_ =	shalt  }
0x64: {  	_ =	shalt  }
0x65: {  	_ =	shalt  }
0x66: {  	_ =	shalt  }
0x67: {  	_ =	shalt  }
0x68: {  	_ =	shalt  }
0x69: {  	_ =	shalt  }
0x6a: {  	_ =	shalt  }
0x6b: {  	_ =	shalt  }
0x6c: {  	_ =	shalt  }
0x6d: {  	_ =	shalt  }
0x6e: {  	_ =	shalt  }
0x6f: {  	_ =	shalt  }
0x70: {  	_ =	shalt  }
0x71: {  	_ =	shalt  }
0x72: {  	_ =	shalt  }
0x73: {  	_ =	shalt  }
0x74: {  	_ =	shalt  }
0x75: {  	_ =	shalt  }
0x76: {  	_ =	shalt  }
0x77: {  	_ =	shalt  }
0x78: {  	_ =	shalt  }
0x79: {  	_ =	shalt  }
0x7a: {  	_ =	shalt  }
0x7b: {  	_ =	shalt  }
0x7c: {  	_ =	shalt  }
0x7d: {  	_ =	shalt  }
0x7e: {  	_ =	shalt  }
0x7f: {  	_ =	shalt  }
0x80: {  	_ =	shalt  }
0x81: {  	_ =	shalt  }
0x82: {  	_ =	shalt  }
0x83: {  	_ =	shalt  }
0x84: {  	_ =	shalt  }
0x85: {  	_ =	shalt  }
0x86: {  	_ =	shalt  }
0x87: {  	_ =	shalt  }
.Lfunc_end0:
.L_simem_size_0:
called_computation_lowered:
.L_overlay_start_0:
0x88: {  	s2 =	sld [smem:$0x3FD9]  }
0x89: {  	s3 =	sld [smem:$0x3FFE];
	_ =	sdelay $0x1  }
0x8a: {  	s1 =	srdreg.scid  }
0x8b: {  	s0 =	sand.u32 $0x1, s1  }
0x8c: {  	s17 =	sshll.u32 s0, $0xA;
	s2 =	sadd.s32 s3, s2  }
0x8d: {  	s2 =	sadd.s32 s2, s17  }
0x8e: {  	[smem:$0x3FBE] =	sst s2  }
0x8f: {  	_ = 	snop  }
0x90: {  	s2 =	sld [smem:$0x3FC9]  }
0x91: {  	s18 =	sld [smem:$0x3FD0];
	(tm) =	ssettm $0x1  }
0x92: {  	s4 =	sld [smem:$0x3FFB];
	_ =	sdelay $0x3  }
0x93: {  	_ =	strace s4  }
0x94: {  	s4 =	sld [smem:$0x3FFC];
	_ =	sdelay $0x3  }
0x95: {  	_ =	strace s4  }
0x96: {  	s4 =	sld [smem:$0x3FFD];
	_ =	sdelay $0x3  }
0x97: {  	_ =	strace s4  }
0x98: {  	_ =	strace $0x8FFFFFFF  }
0x99: {  	s19 =	sld [smem:$0x3FDB];
	_ =	sdelay $0x1  }
0x9a: {  	s5 =	simm.s32 $_scs_section_size  }
0x9b: {  	s6 =	simm.s32 $_size__tile_overlayer_lowered;
	s7 =	simm.s32 $_tile_overlayer_lowered  }
0x9c: {  	s22 =	simm.s32 $0x1BFF;
	s21 =	sshll.u32 s7, $0x1;
	s4 =	sadd.s32 s5, s19  }
0x9d: {  	s8 =	simm.s32 $0x0;
	s20 =	sshll.u32 s6, $0x1;
	s6 =	sadd.s32 s21, s4  }
0x9e: {  	[timem:s8], [sflag:s22] =	dma.local [hbm:s6], s20  }
0x9f: {  	_ =	swait.ge [sflag:s22], s20  }
0xa0: {  	s5 =	ssub.s32 $0x0, s20;
	[sflag:s22] =	ssyncset.done $0x0  }
0xa1: {  	[sflag:s22] =	ssyncadd.s32 s5;
	_ =	sdelay $0x1  }
0xa2: {  	s23 =	simm.s32 $0x1B8B  }
0xa3: {  	_ =	swait.ge [sflag:s23], $0x1  }
0xa4: {  	[sflag:s23] =	ssyncset.done $0x0  }
0xa5: {  	s25 =	simm.s32 $0x1B8E;
	s24 =	sld [smem:$0x3FFE];
	[sflag:s23] =	ssyncadd.s32 $0xFFFFFFFF  }
0xa6: {  	s26 =	simm.s32 $execute0_lowered;
	[smem:$0x3FD2] =	sst s25  }
0xa7: {  	s6 =	sshll.u32 s26, $0x1;
	_ =	strace $0x80000046;
	[dreg:$0x1] =	wrdreg $0xFFFFFFFF  }
0xa8: {  	s28 =	simm.s32 $_size_execute0_lowered;
	s4 =	sadd.s32 s4, s6;
	[dreg:$0x0] =	wrdreg $0x0  }
0xa9: {  	s6 =	sshll.u32 s28, $0x1;
	[dreg:$0x2] =	wrdreg s4  }
0xaa: {  	[dreg:$0x3] =	wrdreg s6  }
0xab: {  	[dreg:$0x4] =	wrdreg $0xC0  }
0xac: {  	_ =	task [dreg:s8], $0x5FFFF  }
0xad: {  	[dreg:$0x1] =	wrdreg $0xFFFFFFFF  }
0xae: {  	[dreg:$0x0] =	wrdreg $0x60  }
0xaf: {  	[dreg:$0x2] =	wrdreg s2  }
0xb0: {  	[dreg:$0x3] =	wrdreg s24  }
0xb1: {  	[dreg:$0x4] =	wrdreg s18  }
0xb2: {  	[dreg:$0x5] =	wrdreg $0x9  }
0xb3: {  	_ =	task.clear_ibuf [dreg:s8], $0x6FFFF;
	_ =	strace $0x90000046  }
0xb4: {  	s29 =	simm.s32 $0x9;
	_ =	strace $0x80000048  }
0xb5: {  	_ =	swait.ge [sflag:s29], $0x1  }
0xb6: {  	[sflag:s29] =	ssyncadd.s32 $0xFFFFFFFF  }
0xb7: {  	_ =	strace $0x90000048  }
0xb8: {  	_ =	sfence  }
0xb9: {  	s30 =	sld [smem:$0x0];
	_ =	sdelay $0x2  }
0xba: {  	s31 =	sshll.u32 s1, $0xD;
	s1 =	sshrl.u32 s1, $0x2  }
0xbb: {  	s3 =	sand.u32 $0x4000, s31;
	s1 =	sadd.s32 s1, s30  }
0xbc: {  	s0 =	sor.u32 s3, s0;
	s1 =	sshll.u32 s1, $0x11  }
0xbd: {  	s0 =	sor.u32 s1, s0  }
0xbe: {  	s0 =	sadd.s32 $0x8F2B, s0  }
0xbf: {  	[sflag:s0] =	ssyncadd.remote.s32 $0x1  }
0xc0: {  	_ =	sfence.sel $0xFFFF  }
0xc1: {  	[dreg:$0x0] =	wrdreg $0xFFFFFFFF;
	(pc) =	sbr.abs _section_cstart, $3  }
0xc2: {  	[dreg:$0x1] =	wrdreg $0xFFFFFFFF  }
0xc3: {  	_ =	task.clear_ibuf [dreg:s8], $0x2FFFF;
	_ =	strace $0x9FFFFFFF  }
0xc4: {  	(tm) =	ssettm $0x7FFFFFFF  }
0xc5: {  	_ =	shalt  }
tec
execute0_lowered:
.L_overlay_start_1:
0x0: {  	(tag) =	ssettag $0x1  }
0x1: {  	s1 =	rddreg [dreg:$0x0]  }
0x2: {  	s0 =	srdreg.scid;
	s4 =	rddreg [dreg:$0x1]  }
0x3: {  	s7 =	stileid.u32;
	s6 =	rddreg [dreg:$0x2]  }
0x4: {  	s3 =	simm.s32 $0x0;
	s11 =	simm.s32 $0x9;
	s12 =	simm.s32 $0x2780  }
0x5: {  	s13 =	simm.s32 $0x50;
	s14 =	simm.s32 $0x4F00;
	s15 =	simm.s32 $0x7700  }
0x6: {  	s16 =	simm.s32 $0xEF00;
	s17 =	simm.s32 $0x9F00;
	s19 =	simm.s32 $0xC700  }
0x7: {  	s20 =	simm.s32 $0x1;
	s21 =	simm.s32 $0x2;
	s22 =	simm.s32 $0x5  }
0x8: {  	s23 =	simm.s32 $0x6;
	s24 =	simm.s32 $0x7;
	s25 =	simm.s32 $0x8  }
0x9: {  	s26 =	simm.s32 $0x0;
	s0 =	sand.u32 $0x1, s0;
	s2 =	sshll.u32 s7, $0x1  }
0xa: {  	[smem:$0x7FF] =	sst s3;
	s7 =	smul.u32 $0x4E200, s7;
	s2 =	sor.u32 s0, s2  }
0xb: {  	_ =	strace $0x80000047;
	s8 =	ssub.s32 $0x2, s0;
	s5 =	smul.u32 $0x2710, s2  }
.Ltmp0:
0xc: {  	s10 =	sadd.s32 s7, s4;
	s29 =	sshrl.u32 s8, $0x1;
	(pc) =	sbr.rel .LBB2_1-.Ltmp0, $4  }
0xd: {  	s2 =	smul.u32 $0x4F0, s2;
	s30 =	ssub.s32 s8, s29;
	s5 =	sshrl.u32 s5, $0x3  }
0xe: {  	s8 =	smul.u32 $0x27100, s0;
	s9 =	sadd.s32 $0x4F7400, s10;
	s5 =	sadd.s32 s5, s4  }
0xf: {  	s10 =	sadd.s32 $0x15400, s10;
	s6 =	sadd.s32 s6, s2;
	s31 =	sadd.s32 $0xB600, s5  }
0x10: {  	v0 =	vimm.f32 $0.0e+00;
	s7 =	smax.u32 s30, $0x1;
	s5 =	sadd.s32 $0x1800, s5;
	[dreg:$0x4] =	wrdreg s31  }
.LBB2_8:
0x11: {  	_ =	swait.ge [sflag:s22], $0x2800  }
0x12: {  	[sflag:s22] =	ssyncset.done $0x0  }
0x13: {  	[sflag:s22] =	ssyncadd.s32 $0xFFFFD800  }
0x14: {  	_ =	swait.ge [sflag:s23], $0x2800  }
0x15: {  	[sflag:s23] =	ssyncset.done $0x0  }
0x16: {  	[sflag:s23] =	ssyncadd.s32 $0xFFFFD800  }
0x17: {  	_ =	swait.ge [sflag:s24], $0x2800  }
0x18: {  	[sflag:s24] =	ssyncset.done $0x0  }
0x19: {  	[sflag:s24] =	ssyncadd.s32 $0xFFFFD800  }
0x1a: {  	s26 =	sadd.s32 $0x1, s26;
	_ =	swait.ge [sflag:s25], $0x2800  }
0x1b: {  	p0 =	sne.s32 s26, s7;
	[sflag:s25] =	ssyncset.done $0x0  }
.Ltmp1:
0x1c: {  	[sflag:s25] =	ssyncadd.s32 $0xFFFFD800;
	(pc) =	sbr.rel @!p0 .LBB2_9-.Ltmp1, $4  }
0x1d: {  	[hbm4b:s6+s3] =	stream.linear.scatter [tilespmem:s16], [sflag:$0x9], $0x2780, $0x38;
	[tilespmem:$0x11680] =	vst v63  }
0x1e: {  	_ =	swait.ge [sflag:s11], $0x2780  }
0x1f: {  	[sflag:s11] =	ssyncset.done $0x0  }
0x20: {  	[sflag:s11] =	ssyncadd.s32 $0xFFFFD880  }
.LBB2_1:
0x21: {  	s0 =	rddreg [dreg:$0x4]  }
0x22: {  	[tilespmem:s3], [sflag:$0x9] =	stream.linear.gather [hbm4b:s0+s3], $0x2710, $0x38;
	[tilespmem:$0x11680] =	vst v63  }
0x23: {  	_ =	swait.ge [sflag:s11], $0x2710  }
0x24: {  	[sflag:s11] =	ssyncset.done $0x0  }
0x25: {  	[sflag:s11] =	ssyncadd.s32 $0xFFFFD8F0  }
0x26: {  	[tilespmem:s12], [sflag:$0x9] =	stream.linear.gather [hbm4b:s5+s3], $0x2710, $0x38;
	[tilespmem:$0x11680] =	vst v63  }
0x27: {  	_ =	swait.ge [sflag:s11], $0x2710  }
0x28: {  	[sflag:s11] =	ssyncset.done $0x0  }
0x29: {  	s2 =	simm.s32 $0x0;
	s0 =	simm.s32 $0x40;
	[sflag:s11] =	ssyncadd.s32 $0xFFFFD8F0  }
.LBB2_2:
0x2a: {  	p0 =	sne.s32 s0, $0x9C00;
	[tilespmem:s2+$0xEF00] =	vst v0;
	s2 =	smov.u32 s0;
	s0 =	sadd.s32 $0x40, s0  }
.Ltmp2:
0x2b: {  	(pc) =	sbr.rel @p0 .LBB2_2-.Ltmp2, $2  }
0x2c: {  	_ =	sdelay $0x2  }
0x2d: {  	s2 =	sshra.s32 s2, $0x2  }
0x2e: {  	[tilespmem:s2+$0xEF00] =	vst v0;
	s28 =	simm.s32 $0x0  }
0x2f: {  	[tilespmem:s14], [sflag:$0x1] =	stream.indirect.gather [hbm4b:s1+s13], $0x80, s28, s13, $0xb8;
	[tilespmem:$0x11680] =	vst v63  }
0x30: {  	_ = 	snop  }
0x31: {  	[tilespmem:s15], [sflag:$0x2] =	stream.indirect.gather [hbm4b:s1+s13], $0x80, s12, s13, $0xb8;
	[tilespmem:$0x11680] =	vst v63  }
0x32: {  	v1 =	vld [tilespmem:$0x0];
	_ =	sdelay $0x4  }
0x33: {  	(xrf1) =	vunique.msk.u32 $0xffff, v1;
	_ =	sdelay $0xd  }
0x34: {  	_, v2, vm0 =	vpop (xrf1);
	_ =	sdelay $0x3  }
0x35: {  	v2 =	vcvt.s32.f32 v2;
	_ =	sdelay $0x1  }
0x36: {  	[tilespmem:v1+s16+$0x0] =	vst.idx.add.f32.msk vm0, v2  }
0x37: {  	v1 =	vld [tilespmem:$0x10];
	_ =	sdelay $0x4  }
0x38: {  	(xrf1) =	vunique.msk.u32 $0xffff, v1;
	_ =	sdelay $0xd  }
0x39: {  	_, v2, vm0 =	vpop (xrf1);
	_ =	sdelay $0x3  }
0x3a: {  	v2 =	vcvt.s32.f32 v2;
	_ =	sdelay $0x1  }
0x3b: {  	[tilespmem:v1+s16+$0x0] =	vst.idx.add.f32.msk vm0, v2  }
0x3c: {  	v1 =	vld [tilespmem:$0x20];
	_ =	sdelay $0x4  }
0x3d: {  	(xrf1) =	vunique.msk.u32 $0xffff, v1;
	_ =	sdelay $0xd  }
0x3e: {  	_, v2, vm0 =	vpop (xrf1);
	_ =	sdelay $0x3  }
0x3f: {  	v2 =	vcvt.s32.f32 v2;
	_ =	sdelay $0x1  }
0x40: {  	[tilespmem:v1+s16+$0x0] =	vst.idx.add.f32.msk vm0, v2  }
0x41: {  	v1 =	vld [tilespmem:$0x30];
	_ =	sdelay $0x4  }
0x42: {  	(xrf1) =	vunique.msk.u32 $0xffff, v1;
	_ =	sdelay $0xd  }
0x43: {  	_, v2, vm0 =	vpop (xrf1);
	_ =	sdelay $0x3  }
0x44: {  	v2 =	vcvt.s32.f32 v2;
	_ =	sdelay $0x1  }
0x45: {  	[tilespmem:v1+s16+$0x0] =	vst.idx.add.f32.msk vm0, v2  }
0x46: {  	v1 =	vld [tilespmem:$0x40];
	_ =	sdelay $0x4  }
0x47: {  	(xrf1) =	vunique.msk.u32 $0xffff, v1;
	_ =	sdelay $0xd  }
0x48: {  	_, v2, vm0 =	vpop (xrf1);
	_ =	sdelay $0x3  }
0x49: {  	v2 =	vcvt.s32.f32 v2;
	_ =	sdelay $0x1  }
0x4a: {  	[tilespmem:v1+s16+$0x0] =	vst.idx.add.f32.msk vm0, v2  }
0x4b: {  	v1 =	vld [tilespmem:$0x2780];
	_ =	sdelay $0x4  }
0x4c: {  	(xrf1) =	vunique.msk.u32 $0xffff, v1;
	_ =	sdelay $0xd  }
0x4d: {  	_, v2, vm0 =	vpop (xrf1);
	_ =	sdelay $0x3  }
0x4e: {  	v2 =	vcvt.s32.f32 v2;
	_ =	sdelay $0x1  }
0x4f: {  	[tilespmem:v1+s16+$0x0] =	vst.idx.add.f32.msk vm0, v2  }
0x50: {  	v1 =	vld [tilespmem:$0x2790];
	_ =	sdelay $0x4  }
0x51: {  	(xrf1) =	vunique.msk.u32 $0xffff, v1;
	_ =	sdelay $0xd  }
0x52: {  	_, v2, vm0 =	vpop (xrf1);
	_ =	sdelay $0x3  }
0x53: {  	v2 =	vcvt.s32.f32 v2;
	_ =	sdelay $0x1  }
0x54: {  	[tilespmem:v1+s16+$0x0] =	vst.idx.add.f32.msk vm0, v2  }
0x55: {  	v1 =	vld [tilespmem:$0x27A0];
	_ =	sdelay $0x4  }
0x56: {  	(xrf1) =	vunique.msk.u32 $0xffff, v1;
	_ =	sdelay $0xd  }
0x57: {  	_, v2, vm0 =	vpop (xrf1);
	_ =	sdelay $0x3  }
0x58: {  	v2 =	vcvt.s32.f32 v2;
	_ =	sdelay $0x1  }
0x59: {  	[tilespmem:v1+s16+$0x0] =	vst.idx.add.f32.msk vm0, v2  }
0x5a: {  	v1 =	vld [tilespmem:$0x27B0];
	_ =	sdelay $0x4  }
0x5b: {  	(xrf1) =	vunique.msk.u32 $0xffff, v1;
	_ =	sdelay $0xd  }
0x5c: {  	_, v2, vm0 =	vpop (xrf1);
	_ =	sdelay $0x3  }
0x5d: {  	v2 =	vcvt.s32.f32 v2;
	_ =	sdelay $0x1  }
0x5e: {  	[tilespmem:v1+s16+$0x0] =	vst.idx.add.f32.msk vm0, v2  }
0x5f: {  	v1 =	vld [tilespmem:$0x27C0];
	_ =	sdelay $0x4  }
0x60: {  	(xrf1) =	vunique.msk.u32 $0xffff, v1;
	_ =	sdelay $0xd  }
0x61: {  	_, v2, vm0 =	vpop (xrf1);
	_ =	sdelay $0x3  }
0x62: {  	v2 =	vcvt.s32.f32 v2;
	_ =	sdelay $0x1  }
0x63: {  	[tilespmem:v1+s16+$0x0] =	vst.idx.add.f32.msk vm0, v2  }
0x64: {  	[tilespmem:s17], [sflag:$0x3] =	stream.indirect.gather [hbm4b:s1+s13], $0x80, s13, s13, $0xb8;
	[tilespmem:$0x11680] =	vst v63  }
0x65: {  	s0 =	simm.s32 $0x27D0  }
0x66: {  	[tilespmem:s19], [sflag:$0x4] =	stream.indirect.gather [hbm4b:s1+s13], $0x80, s0, s13, $0xb8;
	[tilespmem:$0x11680] =	vst v63  }
0x67: {  	v1 =	vld [tilespmem:$0x50];
	_ =	sdelay $0x4  }
0x68: {  	(xrf1) =	vunique.msk.u32 $0xffff, v1;
	_ =	sdelay $0xd  }
0x69: {  	_, v2, vm0 =	vpop (xrf1);
	_ =	sdelay $0x3  }
0x6a: {  	v2 =	vcvt.s32.f32 v2;
	_ =	sdelay $0x1  }
0x6b: {  	[tilespmem:v1+s16+$0x0] =	vst.idx.add.f32.msk vm0, v2  }
0x6c: {  	v1 =	vld [tilespmem:$0x60];
	_ =	sdelay $0x4  }
0x6d: {  	(xrf1) =	vunique.msk.u32 $0xffff, v1;
	_ =	sdelay $0xd  }
0x6e: {  	_, v2, vm0 =	vpop (xrf1);
	_ =	sdelay $0x3  }
0x6f: {  	v2 =	vcvt.s32.f32 v2;
	_ =	sdelay $0x1  }
0x70: {  	[tilespmem:v1+s16+$0x0] =	vst.idx.add.f32.msk vm0, v2  }
0x71: {  	v1 =	vld [tilespmem:$0x70];
	_ =	sdelay $0x4  }
0x72: {  	(xrf1) =	vunique.msk.u32 $0xffff, v1;
	_ =	sdelay $0xd  }
0x73: {  	_, v2, vm0 =	vpop (xrf1);
	_ =	sdelay $0x3  }
0x74: {  	v2 =	vcvt.s32.f32 v2;
	_ =	sdelay $0x1  }
0x75: {  	[tilespmem:v1+s16+$0x0] =	vst.idx.add.f32.msk vm0, v2  }
0x76: {  	v1 =	vld [tilespmem:$0x80];
	_ =	sdelay $0x4  }
0x77: {  	(xrf1) =	vunique.msk.u32 $0xffff, v1;
	_ =	sdelay $0xd  }
0x78: {  	_, v2, vm0 =	vpop (xrf1);
	_ =	sdelay $0x3  }
0x79: {  	v2 =	vcvt.s32.f32 v2;
	_ =	sdelay $0x1  }
0x7a: {  	[tilespmem:v1+s16+$0x0] =	vst.idx.add.f32.msk vm0, v2  }
0x7b: {  	v1 =	vld [tilespmem:$0x90];
	_ =	sdelay $0x4  }
0x7c: {  	(xrf1) =	vunique.msk.u32 $0xffff, v1;
	_ =	sdelay $0xd  }
0x7d: {  	_, v2, vm0 =	vpop (xrf1);
	_ =	sdelay $0x3  }
0x7e: {  	v2 =	vcvt.s32.f32 v2;
	_ =	sdelay $0x1  }
0x7f: {  	[tilespmem:v1+s16+$0x0] =	vst.idx.add.f32.msk vm0, v2  }
0x80: {  	v1 =	vld [tilespmem:$0x27D0];
	_ =	sdelay $0x4  }
0x81: {  	(xrf1) =	vunique.msk.u32 $0xffff, v1;
	_ =	sdelay $0xd  }
0x82: {  	_, v2, vm0 =	vpop (xrf1);
	_ =	sdelay $0x3  }
0x83: {  	v2 =	vcvt.s32.f32 v2;
	_ =	sdelay $0x1  }
0x84: {  	[tilespmem:v1+s16+$0x0] =	vst.idx.add.f32.msk vm0, v2  }
0x85: {  	v1 =	vld [tilespmem:$0x27E0];
	_ =	sdelay $0x4  }
0x86: {  	(xrf1) =	vunique.msk.u32 $0xffff, v1;
	_ =	sdelay $0xd  }
0x87: {  	_, v2, vm0 =	vpop (xrf1);
	_ =	sdelay $0x3  }
0x88: {  	v2 =	vcvt.s32.f32 v2;
	_ =	sdelay $0x1  }
0x89: {  	[tilespmem:v1+s16+$0x0] =	vst.idx.add.f32.msk vm0, v2  }
0x8a: {  	v1 =	vld [tilespmem:$0x27F0];
	_ =	sdelay $0x4  }
0x8b: {  	(xrf1) =	vunique.msk.u32 $0xffff, v1;
	_ =	sdelay $0xd  }
0x8c: {  	_, v2, vm0 =	vpop (xrf1);
	_ =	sdelay $0x3  }
0x8d: {  	v2 =	vcvt.s32.f32 v2;
	_ =	sdelay $0x1  }
0x8e: {  	[tilespmem:v1+s16+$0x0] =	vst.idx.add.f32.msk vm0, v2  }
0x8f: {  	v1 =	vld [tilespmem:$0x2800];
	_ =	sdelay $0x4  }
0x90: {  	(xrf1) =	vunique.msk.u32 $0xffff, v1;
	_ =	sdelay $0xd  }
0x91: {  	_, v2, vm0 =	vpop (xrf1);
	_ =	sdelay $0x3  }
0x92: {  	v2 =	vcvt.s32.f32 v2;
	_ =	sdelay $0x1  }
0x93: {  	[tilespmem:v1+s16+$0x0] =	vst.idx.add.f32.msk vm0, v2  }
0x94: {  	v1 =	vld [tilespmem:$0x2810];
	_ =	sdelay $0x4  }
0x95: {  	(xrf1) =	vunique.msk.u32 $0xffff, v1;
	_ =	sdelay $0xd  }
0x96: {  	_, v2, vm0 =	vpop (xrf1);
	_ =	sdelay $0x1  }
.Ltmp3:
0x97: {  	_ = 	snop;
	(pc) =	sbr.rel .LBB2_4-.Ltmp3, $4  }
0x98: {  	_ = 	snop  }
0x99: {  	v2 =	vcvt.s32.f32 v2  }
0x9a: {  	s29 =	simm.s32 $0x1  }
0x9b: {  	s30 =	smov.u32 s10;
	s31 =	smov.u32 s9;
	s2 =	simm.s32 $0x0;
	[tilespmem:v1+s16+$0x0] =	vst.idx.add.f32.msk vm0, v2  }
.LBB2_7:
0x9c: {  	s28 =	sadd.s32 $0x280, s28  }
0x9d: {  	p0 =	sne.s32 s28, $0x9D80  }
.Ltmp4:
0x9e: {  	_ = 	snop;
	(pc) =	sbr.rel @!p0 .LBB2_8-.Ltmp4, $3  }
0x9f: {  	_ =	sdelay $0x1  }
0xa0: {  	s2 =	sadd.s32 $0x1, s2  }
0xa1: {  	s29 =	sadd.s32 $0x2, s29;
	s31 =	sadd.s32 $0xA00, s31;
	s30 =	sadd.s32 $0xA00, s30  }
.LBB2_4:
0xa2: {  	_ =	swait.ge [sflag:s20], $0x2800  }
0xa3: {  	[sflag:s20] =	ssyncset.done $0x0  }
0xa4: {  	[sflag:s20] =	ssyncadd.s32 $0xFFFFD800  }
0xa5: {  	_ =	swait.ge [sflag:s21], $0x2800  }
0xa6: {  	[sflag:s21] =	ssyncset.done $0x0  }
0xa7: {  	s0 =	sadd.s32 s30, s8;
	p0 =	sgt.u32 s29, $0x7C;
	[sflag:s21] =	ssyncadd.s32 $0xFFFFD800  }
0xa8: {  	[hbm4b:s0+s3] =	stream.linear.scatter [tilespmem:s14], [sflag:$0x5], $0x2800, $0x38;
	[tilespmem:$0x11680] =	vst v63  }
0xa9: {  	s18 =	sadd.s32 s31, s8;
	s0 =	simm.s32 @!p0 $0x3  }
0xaa: {  	[hbm4b:s18+s3] =	stream.linear.scatter [tilespmem:s15], [sflag:$0x6], $0x2800, $0x38;
	[tilespmem:$0x11680] =	vst v63  }
0xab: {  	_ =	swait.ge @!p0 [sflag:s0], $0x2800  }
0xac: {  	[sflag:s0] =	ssyncset.done @!p0 $0x0  }
0xad: {  	[sflag:s0] =	ssyncadd.s32 @!p0 $0xFFFFD800;
	s0 =	simm.s32 @!p0 $0x4  }
0xae: {  	_ =	swait.ge @!p0 [sflag:s0], $0x2800  }
0xaf: {  	[sflag:s0] =	ssyncset.done @!p0 $0x0  }
0xb0: {  	[sflag:s0] =	ssyncadd.s32 @!p0 $0xFFFFD800;
	s0 =	sadd.s32 @!p0 s30, s8  }
0xb1: {  	s4 =	simm.s32 @!p0 $0x9F00;
	s18 =	simm.s32 @!p0 $0x0;
	s0 =	sadd.s32 @!p0 $0x500, s0  }
0xb2: {  	[hbm4b:s0+s18] =	stream.linear.scatter @!p0 [tilespmem:s4], [sflag:$0x7], $0x2800, $0x38;
	[tilespmem:$0x11680] =	vst v63  }
0xb3: {  	s0 =	sadd.s32 @!p0 s31, s8  }
0xb4: {  	s4 =	simm.s32 @!p0 $0xC700;
	s0 =	sadd.s32 @!p0 $0x500, s0  }
0xb5: {  	[hbm4b:s0+s18] =	stream.linear.scatter @!p0 [tilespmem:s4], [sflag:$0x8], $0x2800, $0x38;
	[tilespmem:$0x11680] =	vst v63  }
0xb6: {  	p0 =	seq.s32 s28, $0x9B00  }
.Ltmp5:
0xb7: {  	_ = 	snop;
	(pc) =	sbr.rel @p0 .LBB2_8-.Ltmp5, $1  }
0xb8: {  	_ =	sdelay $0x3  }
0xb9: {  	_ =	swait.ge [sflag:s22], $0x2800  }
0xba: {  	[sflag:s22] =	ssyncset.done $0x0  }
0xbb: {  	[sflag:s22] =	ssyncadd.s32 $0xFFFFD800  }
0xbc: {  	_ =	swait.ge [sflag:s23], $0x2800  }
0xbd: {  	s0 =	sshra.s32 s28, $0x2;
	[sflag:s23] =	ssyncset.done $0x0  }
0xbe: {  	s4 =	sadd.s32 $0xA0, s0;
	[sflag:s23] =	ssyncadd.s32 $0xFFFFD800  }
0xbf: {  	[tilespmem:s14], [sflag:$0x1] =	stream.indirect.gather [hbm4b:s1+s13], $0x80, s4, s13, $0xb8;
	[tilespmem:$0x11680] =	vst v63  }
0xc0: {  	s18 =	sadd.s32 $0x2820, s0  }
0xc1: {  	[tilespmem:s15], [sflag:$0x2] =	stream.indirect.gather [hbm4b:s1+s13], $0x80, s18, s13, $0xb8;
	[tilespmem:$0x11680] =	vst v63  }
0xc2: {  	v1 =	vld [tilespmem:s0+$0xA0];
	_ =	sdelay $0x4  }
0xc3: {  	(xrf1) =	vunique.msk.u32 $0xffff, v1;
	_ =	sdelay $0xd  }
0xc4: {  	_, v2, vm0 =	vpop (xrf1);
	_ =	sdelay $0x3  }
0xc5: {  	v2 =	vcvt.s32.f32 v2;
	_ =	sdelay $0x1  }
0xc6: {  	[tilespmem:v1+s16+$0x0] =	vst.idx.add.f32.msk vm0, v2  }
0xc7: {  	v1 =	vld [tilespmem:s0+$0xB0];
	_ =	sdelay $0x4  }
0xc8: {  	(xrf1) =	vunique.msk.u32 $0xffff, v1;
	_ =	sdelay $0xd  }
0xc9: {  	_, v2, vm0 =	vpop (xrf1);
	_ =	sdelay $0x3  }
0xca: {  	v2 =	vcvt.s32.f32 v2;
	_ =	sdelay $0x1  }
0xcb: {  	[tilespmem:v1+s16+$0x0] =	vst.idx.add.f32.msk vm0, v2  }
0xcc: {  	v1 =	vld [tilespmem:s0+$0xC0];
	_ =	sdelay $0x4  }
0xcd: {  	(xrf1) =	vunique.msk.u32 $0xffff, v1;
	_ =	sdelay $0xd  }
0xce: {  	_, v2, vm0 =	vpop (xrf1);
	_ =	sdelay $0x3  }
0xcf: {  	v2 =	vcvt.s32.f32 v2;
	_ =	sdelay $0x1  }
0xd0: {  	[tilespmem:v1+s16+$0x0] =	vst.idx.add.f32.msk vm0, v2  }
0xd1: {  	v1 =	vld [tilespmem:s0+$0xD0];
	_ =	sdelay $0x4  }
0xd2: {  	(xrf1) =	vunique.msk.u32 $0xffff, v1;
	_ =	sdelay $0xd  }
0xd3: {  	_, v2, vm0 =	vpop (xrf1);
	_ =	sdelay $0x3  }
0xd4: {  	v2 =	vcvt.s32.f32 v2;
	_ =	sdelay $0x1  }
0xd5: {  	[tilespmem:v1+s16+$0x0] =	vst.idx.add.f32.msk vm0, v2  }
0xd6: {  	v1 =	vld [tilespmem:s0+$0xE0];
	_ =	sdelay $0x4  }
0xd7: {  	(xrf1) =	vunique.msk.u32 $0xffff, v1;
	_ =	sdelay $0xd  }
0xd8: {  	_, v2, vm0 =	vpop (xrf1);
	_ =	sdelay $0x3  }
0xd9: {  	v2 =	vcvt.s32.f32 v2;
	_ =	sdelay $0x1  }
0xda: {  	[tilespmem:v1+s16+$0x0] =	vst.idx.add.f32.msk vm0, v2  }
0xdb: {  	v1 =	vld [tilespmem:s0+$0x2820];
	_ =	sdelay $0x4  }
0xdc: {  	(xrf1) =	vunique.msk.u32 $0xffff, v1;
	_ =	sdelay $0xd  }
0xdd: {  	_, v2, vm0 =	vpop (xrf1);
	_ =	sdelay $0x3  }
0xde: {  	v2 =	vcvt.s32.f32 v2;
	_ =	sdelay $0x1  }
0xdf: {  	[tilespmem:v1+s16+$0x0] =	vst.idx.add.f32.msk vm0, v2  }
0xe0: {  	v1 =	vld [tilespmem:s0+$0x2830];
	_ =	sdelay $0x4  }
0xe1: {  	(xrf1) =	vunique.msk.u32 $0xffff, v1;
	_ =	sdelay $0xd  }
0xe2: {  	_, v2, vm0 =	vpop (xrf1);
	_ =	sdelay $0x3  }
0xe3: {  	v2 =	vcvt.s32.f32 v2;
	_ =	sdelay $0x1  }
0xe4: {  	[tilespmem:v1+s16+$0x0] =	vst.idx.add.f32.msk vm0, v2  }
0xe5: {  	v1 =	vld [tilespmem:s0+$0x2840];
	_ =	sdelay $0x4  }
0xe6: {  	(xrf1) =	vunique.msk.u32 $0xffff, v1;
	_ =	sdelay $0xd  }
0xe7: {  	_, v2, vm0 =	vpop (xrf1);
	_ =	sdelay $0x3  }
0xe8: {  	v2 =	vcvt.s32.f32 v2;
	_ =	sdelay $0x1  }
0xe9: {  	[tilespmem:v1+s16+$0x0] =	vst.idx.add.f32.msk vm0, v2  }
0xea: {  	v1 =	vld [tilespmem:s0+$0x2850];
	_ =	sdelay $0x4  }
0xeb: {  	(xrf1) =	vunique.msk.u32 $0xffff, v1;
	_ =	sdelay $0xd  }
0xec: {  	_, v2, vm0 =	vpop (xrf1);
	_ =	sdelay $0x3  }
0xed: {  	v2 =	vcvt.s32.f32 v2;
	_ =	sdelay $0x1  }
0xee: {  	[tilespmem:v1+s16+$0x0] =	vst.idx.add.f32.msk vm0, v2  }
0xef: {  	v1 =	vld [tilespmem:s0+$0x2860];
	_ =	sdelay $0x4  }
0xf0: {  	(xrf1) =	vunique.msk.u32 $0xffff, v1;
	_ =	sdelay $0xd  }
0xf1: {  	_, v2, vm0 =	vpop (xrf1)  }
0xf2: {  	p0 =	sgt.u32 s2, $0x3C  }
.Ltmp6:
0xf3: {  	_ = 	snop;
	(pc) =	sbr.rel @p0 .LBB2_7-.Ltmp6, $3  }
0xf4: {  	_ = 	snop  }
0xf5: {  	v2 =	vcvt.s32.f32 v2;
	_ =	sdelay $0x1  }
0xf6: {  	[tilespmem:v1+s16+$0x0] =	vst.idx.add.f32.msk vm0, v2  }
0xf7: {  	_ =	swait.ge [sflag:s24], $0x2800  }
0xf8: {  	[sflag:s24] =	ssyncset.done $0x0  }
0xf9: {  	[sflag:s24] =	ssyncadd.s32 $0xFFFFD800  }
0xfa: {  	_ =	swait.ge [sflag:s25], $0x2800  }
0xfb: {  	[sflag:s25] =	ssyncset.done $0x0  }
0xfc: {  	s4 =	sadd.s32 $0xF0, s0;
	[sflag:s25] =	ssyncadd.s32 $0xFFFFD800  }
0xfd: {  	[tilespmem:s17], [sflag:$0x3] =	stream.indirect.gather [hbm4b:s1+s13], $0x80, s4, s13, $0xb8;
	[tilespmem:$0x11680] =	vst v63  }
0xfe: {  	s18 =	sadd.s32 $0x2870, s0  }
0xff: {  	[tilespmem:s19], [sflag:$0x4] =	stream.indirect.gather [hbm4b:s1+s13], $0x80, s18, s13, $0xb8;
	[tilespmem:$0x11680] =	vst v63  }
0x100: {  	v1 =	vld [tilespmem:s0+$0xF0];
	_ =	sdelay $0x4  }
0x101: {  	(xrf1) =	vunique.msk.u32 $0xffff, v1;
	_ =	sdelay $0xd  }
0x102: {  	_, v2, vm0 =	vpop (xrf1);
	_ =	sdelay $0x3  }
0x103: {  	v2 =	vcvt.s32.f32 v2;
	_ =	sdelay $0x1  }
0x104: {  	[tilespmem:v1+s16+$0x0] =	vst.idx.add.f32.msk vm0, v2  }
0x105: {  	v1 =	vld [tilespmem:s0+$0x100];
	_ =	sdelay $0x4  }
0x106: {  	(xrf1) =	vunique.msk.u32 $0xffff, v1;
	_ =	sdelay $0xd  }
0x107: {  	_, v2, vm0 =	vpop (xrf1);
	_ =	sdelay $0x3  }
0x108: {  	v2 =	vcvt.s32.f32 v2;
	_ =	sdelay $0x1  }
0x109: {  	[tilespmem:v1+s16+$0x0] =	vst.idx.add.f32.msk vm0, v2  }
0x10a: {  	v1 =	vld [tilespmem:s0+$0x110];
	_ =	sdelay $0x4  }
0x10b: {  	(xrf1) =	vunique.msk.u32 $0xffff, v1;
	_ =	sdelay $0xd  }
0x10c: {  	_, v2, vm0 =	vpop (xrf1);
	_ =	sdelay $0x3  }
0x10d: {  	v2 =	vcvt.s32.f32 v2;
	_ =	sdelay $0x1  }
0x10e: {  	[tilespmem:v1+s16+$0x0] =	vst.idx.add.f32.msk vm0, v2  }
0x10f: {  	v1 =	vld [tilespmem:s0+$0x120];
	_ =	sdelay $0x4  }
0x110: {  	(xrf1) =	vunique.msk.u32 $0xffff, v1;
	_ =	sdelay $0xd  }
0x111: {  	_, v2, vm0 =	vpop (xrf1);
	_ =	sdelay $0x3  }
0x112: {  	v2 =	vcvt.s32.f32 v2;
	_ =	sdelay $0x1  }
0x113: {  	[tilespmem:v1+s16+$0x0] =	vst.idx.add.f32.msk vm0, v2  }
0x114: {  	v1 =	vld [tilespmem:s0+$0x130];
	_ =	sdelay $0x4  }
0x115: {  	(xrf1) =	vunique.msk.u32 $0xffff, v1;
	_ =	sdelay $0xd  }
0x116: {  	_, v2, vm0 =	vpop (xrf1);
	_ =	sdelay $0x3  }
0x117: {  	v2 =	vcvt.s32.f32 v2;
	_ =	sdelay $0x1  }
0x118: {  	[tilespmem:v1+s16+$0x0] =	vst.idx.add.f32.msk vm0, v2  }
0x119: {  	v1 =	vld [tilespmem:s0+$0x2870];
	_ =	sdelay $0x4  }
0x11a: {  	(xrf1) =	vunique.msk.u32 $0xffff, v1;
	_ =	sdelay $0xd  }
0x11b: {  	_, v2, vm0 =	vpop (xrf1);
	_ =	sdelay $0x3  }
0x11c: {  	v2 =	vcvt.s32.f32 v2;
	_ =	sdelay $0x1  }
0x11d: {  	[tilespmem:v1+s16+$0x0] =	vst.idx.add.f32.msk vm0, v2  }
0x11e: {  	v1 =	vld [tilespmem:s0+$0x2880];
	_ =	sdelay $0x4  }
0x11f: {  	(xrf1) =	vunique.msk.u32 $0xffff, v1;
	_ =	sdelay $0xd  }
0x120: {  	_, v2, vm0 =	vpop (xrf1);
	_ =	sdelay $0x3  }
0x121: {  	v2 =	vcvt.s32.f32 v2;
	_ =	sdelay $0x1  }
0x122: {  	[tilespmem:v1+s16+$0x0] =	vst.idx.add.f32.msk vm0, v2  }
0x123: {  	v1 =	vld [tilespmem:s0+$0x2890];
	_ =	sdelay $0x4  }
0x124: {  	(xrf1) =	vunique.msk.u32 $0xffff, v1;
	_ =	sdelay $0xd  }
0x125: {  	_, v2, vm0 =	vpop (xrf1);
	_ =	sdelay $0x3  }
0x126: {  	v2 =	vcvt.s32.f32 v2;
	_ =	sdelay $0x1  }
0x127: {  	[tilespmem:v1+s16+$0x0] =	vst.idx.add.f32.msk vm0, v2  }
0x128: {  	v1 =	vld [tilespmem:s0+$0x28A0];
	_ =	sdelay $0x4  }
0x129: {  	(xrf1) =	vunique.msk.u32 $0xffff, v1;
	_ =	sdelay $0xd  }
0x12a: {  	_, v2, vm0 =	vpop (xrf1);
	_ =	sdelay $0x3  }
0x12b: {  	v2 =	vcvt.s32.f32 v2;
	_ =	sdelay $0x1  }
0x12c: {  	[tilespmem:v1+s16+$0x0] =	vst.idx.add.f32.msk vm0, v2  }
0x12d: {  	v1 =	vld [tilespmem:s0+$0x28B0];
	_ =	sdelay $0x4  }
0x12e: {  	(xrf1) =	vunique.msk.u32 $0xffff, v1;
	_ =	sdelay $0xd  }
0x12f: {  	_, v2, vm0 =	vpop (xrf1);
	_ =	sdelay $0x1  }
.Ltmp7:
0x130: {  	_ = 	snop;
	(pc) =	sbr.rel .LBB2_7-.Ltmp7, $3  }
0x131: {  	_ = 	snop  }
0x132: {  	v2 =	vcvt.s32.f32 v2;
	_ =	sdelay $0x1  }
0x133: {  	[tilespmem:v1+s16+$0x0] =	vst.idx.add.f32.msk vm0, v2  }
.LBB2_9:
0x134: {  	_ =	sfence.sel $0x180000  }
0x135: {  	[bflag:$0x0] =	sbarrier.arrive $0xFFFF  }
0x136: {  	_ =	strace $0x90000047  }
0x137: {  	s0 =	stileid.u32;
	[bflag:$0x2] =	sbarrier.arrive $0xFFFF  }
0x138: {  	p0 =	sne.s32 s0, $0x0;
	s0 =	rddreg [dreg:$0x3]  }
0x139: {  	s0 =	sadd.s32 @!p0 $0x100000, s0  }
0x13a: {  	[sflag:s0] =	ssyncadd.tile.s32 @!p0 $0x1;
	_ =	shalt  }
.Lfunc_end2:
_tile_overlayer_lowered:
.L_overlay_start_2:
0x13b: {  	(tag) =	ssettag $0x2  }
0x13c: {  	s0 =	rddreg [dreg:$0x0];
	s2 =	stileid.u32  }
0x13d: {  	s1 =	rddreg [dreg:$0x1];
	p0 =	sne.s32 s2, $0x0  }
0x13e: {  	s3 =	rddreg [dreg:$0x2];
	[bflag:$0x3] =	sbarrier.arrive $0xFFFF;
	s2 =	simm.s32 @!p0 $0x1C09  }
0x13f: {  	[timem:s3], [sflag:s2] =	dma.local @!p0 [hbm:s0], s1  }
0x140: {  	s0 =	simm.s32 @!p0 $0x9  }
0x141: {  	_ =	swait.ge @!p0 [sflag:s0], s1  }
0x142: {  	s1 =	ssub.s32 @!p0 $0x0, s1;
	[sflag:s0] =	ssyncset.done @!p0 $0x0  }
0x143: {  	[sflag:s0] =	ssyncadd.s32 @!p0 s1  }
0x144: {  	[bflag:$0x3] =	sbarrier.arrive $0xFFFF  }
0x145: {  	_ =	shalt  }

// kernel: kernel.9.cloned.1.call-start
scs
__scs_entry_jumppad:
0x0: {  	(pc) =	sbr.rel $0x88, $3  }
0x1: {  	(tag) =	ssettag $0x0;
	lr =	simm.s32 $0x1  }
0x2: {  	[smem:$0x3F97] =	sst lr;
	_ =	strace $0xD0000000  }
0x3: {  	_ = 	snop  }
0x4: {  	_ = 	snop  }
0x5: {  	_ = 	snop  }
0x6: {  	_ = 	snop  }
0x7: {  	_ = 	snop  }
__scs_overlays_trampoline_lowered:
0x8: {  	[smem:$0x3FA6] =	sst s0  }
0x9: {  	[smem:$0x3FA7] =	sst s1  }
0xa: {  	[smem:$0x3FA8] =	sst s2  }
0xb: {  	[smem:$0x3FA9] =	sst s3  }
0xc: {  	[smem:$0x3FAA] =	sst s4  }
0xd: {  	[smem:$0x3FAB] =	sst s5  }
0xe: {  	[smem:$0x3FAC] =	sst s6  }
0xf: {  	[smem:$0x3FAD] =	sst s7  }
0x10: {  	[smem:$0x3FAE] =	sst s8  }
0x11: {  	[smem:$0x3FAF] =	sst s9;
	s0 =	simm.s32 @!p0 $0x0  }
0x12: {  	s1 =	sld [smem:$0x3F95];
	s0 =	simm.s32 @p0 $0x1  }
0x13: {  	[smem:$0x3FB0] =	sst s0;
	s0 =	simm.s32 @!p1 $0x0  }
0x14: {  	s2 =	sld [smem:$0x3F94];
	s0 =	simm.s32 @p1 $0x1  }
0x15: {  	[smem:$0x3FB1] =	sst s0;
	s0 =	simm.s32 @!p2 $0x0  }
0x16: {  	s3 =	sld [smem:$0x3FDB];
	s0 =	simm.s32 @p2 $0x1  }
0x17: {  	s4 =	simm.s32 $0x1BF5;
	[smem:$0x3FB3] =	sst s0  }
0x18: {  	s0 =	sld [smem:$0x3F96];
	_ =	swait.ge [sflag:s4], $0x0  }
0x19: {  	s7 =	sld [smem:$0x3F97]  }
0x1a: {  	s8 =	sadd.s32 $0xFFFFE003, lr  }
0x1b: {  	s9 =	sadd.s32 $0xFFFFFEF7, lr;
	s5 =	simm.s32 $0xFFFFFFFF;
	p2 =	slt.u32 s8, $0xFFFFF086  }
0x1c: {  	p1 =	slt.u32 s9, $0xF7A;
	s5 =	simm.s32 @!p2 $0x0  }
0x1d: {  	s5 =	simm.s32 @p1 $0x1;
	p0 =	seq.s32 s7, s2  }
0x1e: {  	s7 =	smul.u32 @!p0 $0xF7A, s2;
	p2 =	seq.s32 @!p0 s5, $0x0  }
0x1f: {  	s9 =	smul.u32 $0xF7A, s1;
	s8 =	simm.s32 @!p0 $0x1BF5;
	p2 =	por !p2, p0  }
0x20: {  	[sflag:s8] =	ssyncset.s32 @!p0 $0xFFFFF086;
	s6 =	sadd.s32 @!p0 s3, s7;
	s7 =	simm.s32 @!p0 $0x108  }
0x21: {  	s3 =	sadd.s32 s3, s9;
	s6 =	sadd.s32 @!p0 $0x88, s6;
	s7 =	simm.s32 @p2 $0x1082  }
0x22: {  	[simem:s7], [sflag:s8] =	dma.local @!p0 [hbm:s6], $0xF7A  }
0x23: {  	s9 =	sor.u32 $0xD0000000, s2;
	s6 =	simm.s32 $0x108;
	_ =	swait.ge @!p0 [sflag:s8], $0x0  }
0x24: {  	s3 =	sadd.s32 $0x88, s3;
	s6 =	simm.s32 @!p1 $0x1082;
	[sflag:s4] =	ssyncset.s32 $0xFFFFF086  }
0x25: {  	[simem:s6], [sflag:s4] =	dma.local [hbm:s3], $0xF7A  }
0x26: {  	[smem:$0x3F97] =	sst s1;
	(tag) =	ssettag s2;
	_ =	strace s9  }
0x27: {  	s1 =	sld [smem:$0x3FA7]  }
0x28: {  	s2 =	sld [smem:$0x3FA8]  }
0x29: {  	s4 =	sld [smem:$0x3FAA]  }
0x2a: {  	p0 =	seq.s32 s5, $0x0;
	s5 =	sld [smem:$0x3FAB]  }
0x2b: {  	s6 =	sld [smem:$0x3FAC]  }
0x2c: {  	s7 =	sld [smem:$0x3FAD]  }
0x2d: {  	s3 =	simm.s32 $0x108;
	s8 =	sld [smem:$0x3FAE]  }
0x2e: {  	s3 =	simm.s32 @!p0 $0x1082;
	s9 =	sld [smem:$0x3FAF]  }
0x2f: {  	lr =	sadd.s32 s0, s3;
	s0 =	sld [smem:$0x3FA6]  }
0x30: {  	s3 =	sld [smem:$0x3FA9]  }
0x31: {  	[smem:$0x3FB2] =	sst s10  }
0x32: {  	s10 =	sld [smem:$0x3FB0];
	_ =	sdelay $0x3  }
0x33: {  	p0 =	seq.s32 s10, $0x1;
	s10 =	sld [smem:$0x3FB2];
	_ =	sdelay $0x3  }
0x34: {  	[smem:$0x3FB2] =	sst s10  }
0x35: {  	s10 =	sld [smem:$0x3FB1];
	_ =	sdelay $0x3  }
0x36: {  	p1 =	seq.s32 s10, $0x1;
	s10 =	sld [smem:$0x3FB2];
	_ =	sdelay $0x3  }
0x37: {  	[smem:$0x3FB2] =	sst s10  }
0x38: {  	s10 =	sld [smem:$0x3FB3]  }
0x39: {  	_ = 	snop;
	(pc) =	sbr.ind lr, $3  }
0x3a: {  	_ = 	snop  }
0x3b: {  	_ = 	snop  }
0x3c: {  	p2 =	seq.s32 s10, $0x1;
	s10 =	sld [smem:$0x3FB2]  }
0x3d: {  	_ =	shalt  }
0x3e: {  	_ =	shalt  }
0x3f: {  	_ =	shalt  }
0x40: {  	_ =	shalt  }
0x41: {  	_ =	shalt  }
0x42: {  	_ =	shalt  }
0x43: {  	_ =	shalt  }
0x44: {  	_ =	shalt  }
0x45: {  	_ =	shalt  }
0x46: {  	_ =	shalt  }
0x47: {  	_ =	shalt  }
0x48: {  	_ =	shalt  }
0x49: {  	_ =	shalt  }
0x4a: {  	_ =	shalt  }
0x4b: {  	_ =	shalt  }
0x4c: {  	_ =	shalt  }
0x4d: {  	_ =	shalt  }
0x4e: {  	_ =	shalt  }
0x4f: {  	_ =	shalt  }
0x50: {  	_ =	shalt  }
0x51: {  	_ =	shalt  }
0x52: {  	_ =	shalt  }
0x53: {  	_ =	shalt  }
0x54: {  	_ =	shalt  }
0x55: {  	_ =	shalt  }
0x56: {  	_ =	shalt  }
0x57: {  	_ =	shalt  }
0x58: {  	_ =	shalt  }
0x59: {  	_ =	shalt  }
0x5a: {  	_ =	shalt  }
0x5b: {  	_ =	shalt  }
0x5c: {  	_ =	shalt  }
0x5d: {  	_ =	shalt  }
0x5e: {  	_ =	shalt  }
0x5f: {  	_ =	shalt  }
0x60: {  	_ =	shalt  }
0x61: {  	_ =	shalt  }
0x62: {  	_ =	shalt  }
0x63: {  	_ =	shalt  }
0x64: {  	_ =	shalt  }
0x65: {  	_ =	shalt  }
0x66: {  	_ =	shalt  }
0x67: {  	_ =	shalt  }
0x68: {  	_ =	shalt  }
0x69: {  	_ =	shalt  }
0x6a: {  	_ =	shalt  }
0x6b: {  	_ =	shalt  }
0x6c: {  	_ =	shalt  }
0x6d: {  	_ =	shalt  }
0x6e: {  	_ =	shalt  }
0x6f: {  	_ =	shalt  }
0x70: {  	_ =	shalt  }
0x71: {  	_ =	shalt  }
0x72: {  	_ =	shalt  }
0x73: {  	_ =	shalt  }
0x74: {  	_ =	shalt  }
0x75: {  	_ =	shalt  }
0x76: {  	_ =	shalt  }
0x77: {  	_ =	shalt  }
0x78: {  	_ =	shalt  }
0x79: {  	_ =	shalt  }
0x7a: {  	_ =	shalt  }
0x7b: {  	_ =	shalt  }
0x7c: {  	_ =	shalt  }
0x7d: {  	_ =	shalt  }
0x7e: {  	_ =	shalt  }
0x7f: {  	_ =	shalt  }
0x80: {  	_ =	shalt  }
0x81: {  	_ =	shalt  }
0x82: {  	_ =	shalt  }
0x83: {  	_ =	shalt  }
0x84: {  	_ =	shalt  }
0x85: {  	_ =	shalt  }
0x86: {  	_ =	shalt  }
0x87: {  	_ =	shalt  }
.Lfunc_end0:
.L_simem_size_0:
called_computation.1_lowered:
.L_overlay_start_0:
0x88: {  	s2 =	sld [smem:$0x3FD9]  }
0x89: {  	s3 =	sld [smem:$0x3FFE];
	_ =	sdelay $0x1  }
0x8a: {  	s1 =	srdreg.scid  }
0x8b: {  	s0 =	sand.u32 $0x1, s1  }
0x8c: {  	s16 =	sshll.u32 s0, $0xA;
	s2 =	sadd.s32 s3, s2  }
0x8d: {  	s2 =	sadd.s32 s2, s16  }
0x8e: {  	[smem:$0x3FBE] =	sst s2  }
0x8f: {  	_ = 	snop  }
0x90: {  	(tm) =	ssettm $0x1  }
0x91: {  	s17 =	sld [smem:$0x3FFB];
	_ =	sdelay $0x3  }
0x92: {  	_ =	strace s17  }
0x93: {  	s2 =	sld [smem:$0x3FFC];
	_ =	sdelay $0x3  }
0x94: {  	_ =	strace s2  }
0x95: {  	s2 =	sld [smem:$0x3FFD];
	_ =	sdelay $0x3  }
0x96: {  	_ =	strace s2  }
0x97: {  	_ =	strace $0x8FFFFFFF  }
0x98: {  	s18 =	sld [smem:$0x3FDB];
	_ =	sdelay $0x1  }
0x99: {  	s19 =	simm.s32 $_scs_section_size  }
0x9a: {  	s4 =	simm.s32 $_size__tile_overlayer_lowered;
	s5 =	simm.s32 $_tile_overlayer_lowered  }
0x9b: {  	s22 =	simm.s32 $0x1BFF;
	s21 =	sshll.u32 s5, $0x1;
	s2 =	sadd.s32 s19, s18  }
0x9c: {  	s6 =	simm.s32 $0x0;
	s20 =	sshll.u32 s4, $0x1;
	s4 =	sadd.s32 s21, s2  }
0x9d: {  	[timem:s6], [sflag:s22] =	dma.local [hbm:s4], s20  }
0x9e: {  	_ =	swait.ge [sflag:s22], s20  }
0x9f: {  	s3 =	ssub.s32 $0x0, s20;
	[sflag:s22] =	ssyncset.done $0x0  }
0xa0: {  	[sflag:s22] =	ssyncadd.s32 s3;
	_ =	sdelay $0x1  }
0xa1: {  	s23 =	simm.s32 $0x1B8B  }
0xa2: {  	_ =	swait.ge [sflag:s23], $0x1  }
0xa3: {  	[sflag:s23] =	ssyncset.done $0x0  }
0xa4: {  	s25 =	simm.s32 $0x1B8E;
	s24 =	sld [smem:$0x3FFE];
	[sflag:s23] =	ssyncadd.s32 $0xFFFFFFFF  }
0xa5: {  	s26 =	simm.s32 $execute0_lowered;
	[smem:$0x3FD2] =	sst s25  }
0xa6: {  	s4 =	sshll.u32 s26, $0x1;
	_ =	strace $0x80000049;
	[dreg:$0x1] =	wrdreg $0xFFFFFFFF  }
0xa7: {  	s28 =	simm.s32 $_size_execute0_lowered;
	s2 =	sadd.s32 s2, s4;
	[dreg:$0x0] =	wrdreg $0x0  }
0xa8: {  	s4 =	sshll.u32 s28, $0x1;
	[dreg:$0x2] =	wrdreg s2  }
0xa9: {  	[dreg:$0x3] =	wrdreg s4  }
0xaa: {  	[dreg:$0x4] =	wrdreg $0xC0  }
0xab: {  	_ =	task [dreg:s6], $0x5FFFF  }
0xac: {  	[dreg:$0x1] =	wrdreg $0xFFFFFFFF  }
0xad: {  	[dreg:$0x0] =	wrdreg $0x60  }
0xae: {  	[dreg:$0x2] =	wrdreg s24  }
0xaf: {  	[dreg:$0x3] =	wrdreg $0xA2000  }
0xb0: {  	[dreg:$0x4] =	wrdreg $0x9  }
0xb1: {  	_ =	task.clear_ibuf [dreg:s6], $0x5FFFF;
	_ =	strace $0x90000049  }
0xb2: {  	s29 =	simm.s32 $0x9;
	_ =	strace $0x8000004B  }
0xb3: {  	_ =	swait.ge [sflag:s29], $0x1  }
0xb4: {  	[sflag:s29] =	ssyncadd.s32 $0xFFFFFFFF  }
0xb5: {  	_ =	strace $0x9000004B  }
0xb6: {  	_ =	sfence  }
0xb7: {  	s30 =	sld [smem:$0x0];
	_ =	sdelay $0x2  }
0xb8: {  	s31 =	sshll.u32 s1, $0xD;
	s1 =	sshrl.u32 s1, $0x2  }
0xb9: {  	s3 =	sand.u32 $0x4000, s31;
	s1 =	sadd.s32 s1, s30  }
0xba: {  	s0 =	sor.u32 s3, s0;
	s1 =	sshll.u32 s1, $0x11  }
0xbb: {  	s0 =	sor.u32 s1, s0  }
0xbc: {  	s0 =	sadd.s32 $0x8F2B, s0  }
0xbd: {  	[sflag:s0] =	ssyncadd.remote.s32 $0x1  }
0xbe: {  	_ =	sfence.sel $0xFFFF  }
0xbf: {  	[dreg:$0x0] =	wrdreg $0xFFFFFFFF;
	(pc) =	sbr.abs _section_cstart, $3  }
0xc0: {  	[dreg:$0x1] =	wrdreg $0xFFFFFFFF  }
0xc1: {  	_ =	task.clear_ibuf [dreg:s6], $0x2FFFF;
	_ =	strace $0x9FFFFFFF  }
0xc2: {  	(tm) =	ssettm $0x7FFFFFFF  }
0xc3: {  	_ =	shalt  }
tec
execute0_lowered:
.L_overlay_start_1:
0x0: {  	(tag) =	ssettag $0x1  }
0x1: {  	s0 =	srdreg.scid;
	s25 =	stileid.u32  }
0x2: {  	s11 =	sand.u32 $0x1, s0;
	s16 =	smul.u32 $0x2800, s25  }
0x3: {  	s9 =	sor.u32 $0x10, s25;
	s14 =	smul.u32 $0x138800, s11  }
0x4: {  	s5 =	sor.u32 $0x20, s25;
	s18 =	smul.u32 $0x2800, s9  }
0x5: {  	s6 =	sor.u32 $0x30, s25;
	s19 =	smul.u32 $0x2800, s5  }
0x6: {  	s7 =	sor.u32 $0x40, s25;
	s20 =	smul.u32 $0x2800, s6  }
0x7: {  	s8 =	sor.u32 $0x50, s25;
	s21 =	smul.u32 $0x2800, s7  }
0x8: {  	s22 =	smul.u32 $0x2800, s8  }
0x9: {  	s2 =	rddreg [dreg:$0x0];
	s1 =	simm.s32 $0x0;
	s5 =	smul.u32 $0xA000, s5  }
0xa: {  	[smem:$0x7FF] =	sst s1;
	s13 =	sadd.s32 $0x9D9400, s2;
	s6 =	smul.u32 $0xA000, s6  }
0xb: {  	s15 =	sadd.s32 $0xEBB400, s2;
	s0 =	sshll.u32 s11, $0x4;
	s7 =	smul.u32 $0xA000, s7  }
0xc: {  	s26 =	ssub.s32 $0x2, s11;
	s8 =	smul.u32 $0xA000, s8;
	s0 =	sor.u32 s25, s0  }
0xd: {  	s17 =	sadd.s32 $0x15A00, s2;
	s3 =	sshrl.u32 s26, $0x1;
	s4 =	smul.u32 $0x2710, s0  }
0xe: {  	s12 =	smul.u32 $0x27100, s0;
	s10 =	ssub.s32 s26, s3;
	s3 =	sor.u32 $0x60, s25  }
0xf: {  	s0 =	sor.u32 $0x70, s25;
	s16 =	sadd.s32 s14, s16;
	s18 =	sadd.s32 s14, s18  }
0x10: {  	s19 =	sadd.s32 s14, s19;
	s20 =	sadd.s32 s14, s20;
	s21 =	sadd.s32 s14, s21  }
0x11: {  	s22 =	sadd.s32 s14, s22;
	s5 =	sshrl.u32 s5, $0x2;
	s23 =	smul.u32 $0x2800, s3  }
0x12: {  	s16 =	sshrl.u32 s16, $0x3;
	s18 =	sshrl.u32 s18, $0x3;
	s24 =	smul.u32 $0x2800, s0  }
0x13: {  	s29 =	sshrl.u32 s19, $0x3;
	s30 =	sshrl.u32 s20, $0x3;
	s19 =	smul.u32 $0x27100, s25  }
0x14: {  	s31 =	sshrl.u32 s21, $0x3;
	s22 =	sshrl.u32 s22, $0x3;
	s3 =	smul.u32 $0xA000, s3  }
0x15: {  	p0 =	sgt.u32 s0, $0x7C;
	s0 =	smul.u32 $0xA000, s0;
	s16 =	sadd.s32 s17, s16  }
0x16: {  	s28 =	sadd.s32 s17, s18;
	s20 =	sadd.s32 s17, s30;
	s30 =	smul.u32 $0x271000, s11  }
0x17: {  	s21 =	sadd.s32 s17, s31;
	s11 =	smul.u32 $0x27100, s11;
	[dreg:$0x3] =	wrdreg s16  }
0x18: {  	s23 =	sadd.s32 s14, s23;
	s14 =	sadd.s32 s14, s24;
	[dreg:$0x4] =	wrdreg s28  }
0x19: {  	s24 =	sadd.s32 $0x50, s4;
	s16 =	sadd.s32 s17, s29;
	[dreg:$0x6] =	wrdreg s20  }
0x1a: {  	[dreg:$0x7] =	wrdreg s21;
	s28 =	sadd.s32 s13, s12;
	s12 =	sadd.s32 s15, s12  }
0x1b: {  	s21 =	smul.u32 $0x2710, s25;
	[dreg:$0x5] =	wrdreg s16;
	s23 =	sshrl.u32 s23, $0x3  }
0x1c: {  	s14 =	sshrl.u32 s14, $0x3;
	s16 =	sadd.s32 s17, s22;
	[dreg:$0xb] =	wrdreg s28  }
0x1d: {  	s29 =	sshll.u32 s24, $0x4;
	[dreg:$0xc] =	wrdreg s12;
	s18 =	sadd.s32 s30, s13  }
0x1e: {  	s20 =	sadd.s32 s30, s15;
	s22 =	sshrl.u32 s4, $0x3;
	s28 =	smul.u32 $0xA000, s9  }
0x1f: {  	s9 =	sshrl.u32 s7, $0x2;
	[dreg:$0x8] =	wrdreg s16;
	s26 =	sadd.s32 s17, s23  }
0x20: {  	s14 =	sadd.s32 s17, s14;
	s17 =	sadd.s32 s15, s29;
	s15 =	rddreg [dreg:$0x1]  }
0x21: {  	s12 =	sshrl.u32 s3, $0x2;
	s7 =	simm.s32 $0xD;
	[dreg:$0x9] =	wrdreg s26  }
0x22: {  	s3 =	simm.s32 $0x5;
	s31 =	sadd.s32 s13, s29;
	[dreg:$0xa] =	wrdreg s14  }
0x23: {  	s16 =	sadd.s32 s19, s18;
	s11 =	sadd.s32 s21, s11;
	[dreg:$0xd] =	wrdreg s31  }
0x24: {  	s18 =	sadd.s32 $0xB600, s2;
	s23 =	sshrl.u32 s24, $0x3;
	[dreg:$0xe] =	wrdreg s17  }
0x25: {  	s17 =	sadd.s32 s19, s20;
	s19 =	sadd.s32 $0x1800, s2;
	s2 =	sadd.s32 $0x15400, s2  }
0x26: {  	s24 =	sadd.s32 s18, s22;
	s26 =	smul.u32 $0xA000, s25;
	s29 =	sadd.s32 s18, s23  }
0x27: {  	s31 =	smax.u32 s10, $0x1;
	_ =	strace $0x8000004A;
	[dreg:$0xf] =	wrdreg s2  }
0x28: {  	s20 =	sadd.s32 s5, s15;
	s14 =	sshrl.u32 s0, $0x2;
	[dreg:$0x10] =	wrdreg s24  }
0x29: {  	s25 =	sadd.s32 s12, s15;
	s12 =	simm.s32 $0x0;
	[dreg:$0x12] =	wrdreg s29  }
0x2a: {  	s2 =	sadd.s32 s19, s22;
	s4 =	sadd.s32 s19, s23;
	[dreg:$0x14] =	wrdreg s31  }
0x2b: {  	s22 =	sadd.s32 s9, s15;
	s24 =	sadd.s32 $0xF0, s11;
	[dreg:$0x17] =	wrdreg s25  }
0x2c: {  	s31 =	sadd.s32 $0xA0, s11;
	s11 =	simm.s32 $0x6;
	[dreg:$0x11] =	wrdreg s2  }
0x2d: {  	[dreg:$0x13] =	wrdreg s4;
	s30 =	sshrl.u32 s26, $0x2;
	s2 =	sshrl.u32 s28, $0x2  }
0x2e: {  	s4 =	sshrl.u32 s6, $0x2;
	s26 =	sadd.s32 s14, s15;
	[dreg:$0x1b] =	wrdreg s31  }
0x2f: {  	s28 =	sshrl.u32 s24, $0x3;
	[dreg:$0x15] =	wrdreg s22;
	s10 =	sadd.s32 s30, s15  }
0x30: {  	s13 =	sadd.s32 s2, s15;
	s29 =	sadd.s32 s28, s19;
	[dreg:$0x18] =	wrdreg s26  }
0x31: {  	s2 =	sshrl.u32 s8, $0x2;
	s30 =	sadd.s32 s28, s18;
	[dreg:$0x19] =	wrdreg s29  }
0x32: {  	s6 =	simm.s32 $0x200;
	s23 =	sadd.s32 s2, s15;
	[dreg:$0x1a] =	wrdreg s30  }
0x33: {  	s21 =	sadd.s32 s4, s15;
	s4 =	simm.s32 $0xE;
	[dreg:$0x16] =	wrdreg s23  }
.LBB2_1:
0x34: {  	s5 =	rddreg [dreg:$0xf]  }
0x35: {  	[tilespmem:s6], [sflag:$0xD] =	stream.linear.gather [hbm4b:s5+s1], $0x2800, $0x38;
	[tilespmem:$0x1DA80] =	vst v63  }
0x36: {  	_ =	swait.ge [sflag:s7], $0x2800  }
0x37: {  	[sflag:s7] =	ssyncset.done $0x0  }
0x38: {  	[sflag:s7] =	ssyncadd.s32 $0xFFFFD800  }
0x39: {  	[spmem:s10] =	stream.linear.scatter [tilespmem:s6], [sflag:$0xD], $0x2800, $0x38;
	[tilespmem:$0x1DA80] =	vst v63  }
0x3a: {  	_ =	swait.ge [sflag:s7], $0x2800  }
0x3b: {  	[sflag:s7] =	ssyncset.done $0x0  }
0x3c: {  	[sflag:s7] =	ssyncadd.s32 $0xFFFFD800  }
0x3d: {  	[spmem:s13] =	stream.linear.scatter [tilespmem:s6], [sflag:$0xD], $0x2800, $0x38;
	[tilespmem:$0x1DA80] =	vst v63  }
0x3e: {  	_ =	swait.ge [sflag:s7], $0x2800  }
0x3f: {  	[sflag:s7] =	ssyncset.done $0x0  }
0x40: {  	[sflag:s7] =	ssyncadd.s32 $0xFFFFD800  }
0x41: {  	[spmem:s20] =	stream.linear.scatter [tilespmem:s6], [sflag:$0xD], $0x2800, $0x38;
	[tilespmem:$0x1DA80] =	vst v63  }
0x42: {  	_ =	swait.ge [sflag:s7], $0x2800  }
0x43: {  	[sflag:s7] =	ssyncset.done $0x0  }
0x44: {  	[sflag:s7] =	ssyncadd.s32 $0xFFFFD800  }
0x45: {  	[spmem:s21] =	stream.linear.scatter [tilespmem:s6], [sflag:$0xD], $0x2800, $0x38;
	[tilespmem:$0x1DA80] =	vst v63  }
0x46: {  	_ =	swait.ge [sflag:s7], $0x2800  }
0x47: {  	[sflag:s7] =	ssyncset.done $0x0  }
0x48: {  	[sflag:s7] =	ssyncadd.s32 $0xFFFFD800  }
0x49: {  	[spmem:s22] =	stream.linear.scatter [tilespmem:s6], [sflag:$0xD], $0x2800, $0x38;
	[tilespmem:$0x1DA80] =	vst v63  }
0x4a: {  	_ =	swait.ge [sflag:s7], $0x2800  }
0x4b: {  	[sflag:s7] =	ssyncset.done $0x0  }
0x4c: {  	[sflag:s7] =	ssyncadd.s32 $0xFFFFD800  }
0x4d: {  	[spmem:s23] =	stream.linear.scatter [tilespmem:s6], [sflag:$0xD], $0x2800, $0x38;
	[tilespmem:$0x1DA80] =	vst v63  }
0x4e: {  	_ =	swait.ge [sflag:s7], $0x2800  }
0x4f: {  	[sflag:s7] =	ssyncset.done $0x0  }
0x50: {  	[sflag:s7] =	ssyncadd.s32 $0xFFFFD800  }
0x51: {  	[spmem:s25] =	stream.linear.scatter [tilespmem:s6], [sflag:$0xD], $0x2800, $0x38;
	[tilespmem:$0x1DA80] =	vst v63  }
0x52: {  	_ =	swait.ge [sflag:s7], $0x2800  }
0x53: {  	[sflag:s7] =	ssyncset.done $0x0  }
0x54: {  	s5 =	simm.s32 @!p0 $0x200;
	[sflag:s7] =	ssyncadd.s32 $0xFFFFD800  }
0x55: {  	[spmem:s26] =	stream.linear.scatter @!p0 [tilespmem:s5], [sflag:$0xD], $0x2800, $0x38;
	[tilespmem:$0x1DA80] =	vst v63  }
0x56: {  	s5 =	simm.s32 @!p0 $0xD  }
0x57: {  	_ =	swait.ge @!p0 [sflag:s5], $0x2800  }
0x58: {  	[sflag:s5] =	ssyncset.done @!p0 $0x0  }
0x59: {  	[sflag:s5] =	ssyncadd.s32 @!p0 $0xFFFFD800  }
0x5a: {  	[bflag:$0x0] =	sbarrier.arrive $0xFFFF  }
0x5b: {  	s24 =	smov.u32 s21;
	s21 =	rddreg [dreg:$0x10]  }
0x5c: {  	[tilespmem:s1], [sflag:$0x1] =	stream.linear.gather [hbm4b:s21+s1], $0x50, $0x38;
	[tilespmem:$0x1DA80] =	vst v63  }
0x5d: {  	s8 =	simm.s32 $0x80;
	s22 =	rddreg [dreg:$0x11]  }
0x5e: {  	[tilespmem:s8], [sflag:$0x2] =	stream.linear.gather [hbm4b:s22+s1], $0x50, $0x38;
	[tilespmem:$0x1DA80] =	vst v63  }
0x5f: {  	s23 =	rddreg [dreg:$0xb]  }
0x60: {  	[tilespmem:s6], [sflag:$0x3] =	stream.linear.gather [hbm4b:s23+s1], $0x2800, $0x38;
	[tilespmem:$0x1DA80] =	vst v63  }
0x61: {  	s9 =	simm.s32 $0x2A00;
	s25 =	rddreg [dreg:$0xc]  }
0x62: {  	[tilespmem:s9], [sflag:$0x4] =	stream.linear.gather [hbm4b:s25+s1], $0x2800, $0x38;
	[tilespmem:$0x1DA80] =	vst v63  }
0x63: {  	s14 =	smov.u32 s10;
	s10 =	simm.s32 $0x100;
	s26 =	rddreg [dreg:$0x12]  }
0x64: {  	[tilespmem:s10], [sflag:$0x7] =	stream.linear.gather [hbm4b:s26+s1], $0x50, $0x38;
	[tilespmem:$0x1DA80] =	vst v63  }
0x65: {  	s0 =	smov.u32 s13;
	s13 =	simm.s32 $0x180;
	s28 =	rddreg [dreg:$0x13]  }
0x66: {  	[tilespmem:s13], [sflag:$0x8] =	stream.linear.gather [hbm4b:s28+s1], $0x50, $0x38;
	[tilespmem:$0x1DA80] =	vst v63  }
0x67: {  	s2 =	smov.u32 s20;
	s20 =	simm.s32 $0x5200;
	s29 =	rddreg [dreg:$0xd]  }
0x68: {  	[tilespmem:s20], [sflag:$0x9] =	stream.linear.gather [hbm4b:s29+s1], $0x2800, $0x38;
	[tilespmem:$0x1DA80] =	vst v63  }
0x69: {  	s31 =	simm.s32 $0x1;
	s30 =	rddreg [dreg:$0xe];
	s21 =	simm.s32 $0x7A00  }
0x6a: {  	[tilespmem:s21], [sflag:$0xA] =	stream.linear.gather [hbm4b:s30+s1], $0x2800, $0x38;
	[tilespmem:$0x1DA80] =	vst v63  }
0x6b: {  	_ =	swait.ge [sflag:s31], $0x50  }
0x6c: {  	[sflag:s31] =	ssyncset.done $0x0  }
0x6d: {  	s22 =	simm.s32 $0x2;
	[sflag:s31] =	ssyncadd.s32 $0xFFFFFFB0  }
0x6e: {  	_ =	swait.ge [sflag:s22], $0x50  }
0x6f: {  	[sflag:s22] =	ssyncset.done $0x0  }
0x70: {  	s23 =	simm.s32 $0x3;
	[sflag:s22] =	ssyncadd.s32 $0xFFFFFFB0  }
0x71: {  	_ =	swait.ge [sflag:s23], $0x2800  }
0x72: {  	[sflag:s23] =	ssyncset.done $0x0  }
0x73: {  	s25 =	simm.s32 $0x4;
	[sflag:s23] =	ssyncadd.s32 $0xFFFFD800  }
0x74: {  	_ =	swait.ge [sflag:s25], $0x2800  }
0x75: {  	[sflag:s25] =	ssyncset.done $0x0  }
0x76: {  	s26 =	simm.s32 $0x50;
	[sflag:s25] =	ssyncadd.s32 $0xFFFFD800  }
0x77: {  	[spmem:s15] =	stream.indirect.scatter.add.f32 [tilespmem:s6], [sflag:$0x5], $0x80, s8, s26, $0xb8;
	[tilespmem:$0x1DA80] =	vst v63  }
0x78: {  	s28 =	simm.s32 $0x7  }
0x79: {  	[spmem:s15] =	stream.indirect.scatter.add.f32 [tilespmem:s9], [sflag:$0x6], $0x80, s1, s26, $0xb8;
	[tilespmem:$0x1DA80] =	vst v63  }
0x7a: {  	_ =	swait.ge [sflag:s28], $0x50  }
0x7b: {  	[sflag:s28] =	ssyncset.done $0x0  }
0x7c: {  	s29 =	simm.s32 $0x8;
	[sflag:s28] =	ssyncadd.s32 $0xFFFFFFB0  }
0x7d: {  	_ =	swait.ge [sflag:s29], $0x50  }
0x7e: {  	[sflag:s29] =	ssyncset.done $0x0  }
0x7f: {  	s30 =	simm.s32 $0x9;
	[sflag:s29] =	ssyncadd.s32 $0xFFFFFFB0  }
0x80: {  	_ =	swait.ge [sflag:s30], $0x2800  }
0x81: {  	[sflag:s30] =	ssyncset.done $0x0  }
0x82: {  	s31 =	simm.s32 $0xA;
	[sflag:s30] =	ssyncadd.s32 $0xFFFFD800  }
0x83: {  	_ =	swait.ge [sflag:s31], $0x2800  }
0x84: {  	[sflag:s31] =	ssyncset.done $0x0  }
0x85: {  	s5 =	rddreg [dreg:$0x1b];
	[sflag:s31] =	ssyncadd.s32 $0xFFFFD800  }
0x86: {  	[spmem:s15] =	stream.indirect.scatter.add.f32 [tilespmem:s20], [sflag:$0xB], $0x80, s13, s26, $0xb8;
	[tilespmem:$0x1DA80] =	vst v63  }
0x87: {  	s13 =	rddreg [dreg:$0x1a]  }
0x88: {  	[spmem:s15] =	stream.indirect.scatter.add.f32 [tilespmem:s21], [sflag:$0xC], $0x80, s10, s26, $0xb8;
	[tilespmem:$0x1DA80] =	vst v63  }
0x89: {  	s22 =	simm.s32 $0x0;
	s20 =	rddreg [dreg:$0x19];
	s21 =	simm.s32 $0x0  }
.LBB2_2:
0x8a: {  	_ =	swait.ge [sflag:s3], $0x2800  }
0x8b: {  	[sflag:s3] =	ssyncset.done $0x0  }
0x8c: {  	[sflag:s3] =	ssyncadd.s32 $0xFFFFD800  }
0x8d: {  	p1 =	seq.s32 s21, $0x26C00;
	_ =	swait.ge [sflag:s11], $0x2800  }
0x8e: {  	s23 =	sshrl.u32 @!p1 s5, $0x3;
	[sflag:s11] =	ssyncset.done $0x0  }
0x8f: {  	s8 =	simm.s32 @!p1 $0x0;
	s25 =	sadd.s32 @!p1 s18, s23;
	[sflag:s11] =	ssyncadd.s32 $0xFFFFD800  }
0x90: {  	[tilespmem:s8], [sflag:$0x1] =	stream.linear.gather @!p1 [hbm4b:s25+s8], $0x50, $0x38;
	[tilespmem:$0x1DA80] =	vst v63  }
0x91: {  	s23 =	sadd.s32 @!p1 s19, s23;
	s25 =	simm.s32 @!p1 $0x80  }
0x92: {  	[tilespmem:s25], [sflag:$0x2] =	stream.linear.gather @!p1 [hbm4b:s23+s8], $0x50, $0x38;
	[tilespmem:$0x1DA80] =	vst v63  }
0x93: {  	s23 =	sadd.s32 @!p1 s21, s16  }
0x94: {  	s9 =	simm.s32 @!p1 $0x200;
	s23 =	sadd.s32 @!p1 $0xA00, s23  }
0x95: {  	[tilespmem:s9], [sflag:$0x3] =	stream.linear.gather @!p1 [hbm4b:s23+s8], $0x2800, $0x38;
	[tilespmem:$0x1DA80] =	vst v63  }
0x96: {  	s23 =	sadd.s32 @!p1 s21, s17  }
0x97: {  	s10 =	simm.s32 @!p1 $0x2A00;
	s23 =	sadd.s32 @!p1 $0xA00, s23  }
0x98: {  	[tilespmem:s10], [sflag:$0x4] =	stream.linear.gather @!p1 [hbm4b:s23+s8], $0x2800, $0x38;
	[tilespmem:$0x1DA80] =	vst v63  }
0x99: {  	s23 =	simm.s32 @!p1 $0xB  }
0x9a: {  	_ =	swait.ge @!p1 [sflag:s23], $0x2800  }
0x9b: {  	[sflag:s23] =	ssyncset.done @!p1 $0x0  }
0x9c: {  	[sflag:s23] =	ssyncadd.s32 @!p1 $0xFFFFD800;
	s23 =	simm.s32 @!p1 $0xC  }
0x9d: {  	p2 =	sgt.u32 @!p1 s22, $0x3C;
	_ =	swait.ge @!p1 [sflag:s23], $0x2800  }
0x9e: {  	p2 =	por p2, p1;
	[sflag:s23] =	ssyncset.done @!p1 $0x0  }
0x9f: {  	s26 =	simm.s32 @!p2 $0x100;
	[sflag:s23] =	ssyncadd.s32 @!p1 $0xFFFFD800;
	s23 =	simm.s32 @!p2 $0x0  }
0xa0: {  	[tilespmem:s26], [sflag:$0x7] =	stream.linear.gather @!p2 [hbm4b:s13+s23], $0x50, $0x38;
	[tilespmem:$0x1DA80] =	vst v63  }
0xa1: {  	s28 =	simm.s32 @!p2 $0x180;
	s29 =	sadd.s32 @!p2 s21, s16  }
0xa2: {  	[tilespmem:s28], [sflag:$0x8] =	stream.linear.gather @!p2 [hbm4b:s20+s23], $0x50, $0x38;
	[tilespmem:$0x1DA80] =	vst v63  }
0xa3: {  	s30 =	simm.s32 @!p2 $0x5200;
	s29 =	sadd.s32 @!p2 $0xF00, s29  }
0xa4: {  	[tilespmem:s30], [sflag:$0x9] =	stream.linear.gather @!p2 [hbm4b:s29+s23], $0x2800, $0x38;
	[tilespmem:$0x1DA80] =	vst v63  }
0xa5: {  	s29 =	sadd.s32 @!p2 s21, s17  }
0xa6: {  	s31 =	simm.s32 @!p2 $0x7A00;
	s29 =	sadd.s32 @!p2 $0xF00, s29  }
0xa7: {  	[tilespmem:s31], [sflag:$0xA] =	stream.linear.gather @!p2 [hbm4b:s29+s23], $0x2800, $0x38;
	[tilespmem:$0x1DA80] =	vst v63  }
0xa8: {  	s23 =	simm.s32 @!p1 $0x1  }
0xa9: {  	_ =	swait.ge @!p1 [sflag:s23], $0x50  }
0xaa: {  	[sflag:s23] =	ssyncset.done @!p1 $0x0  }
0xab: {  	[sflag:s23] =	ssyncadd.s32 @!p1 $0xFFFFFFB0;
	s23 =	simm.s32 @!p1 $0x2  }
0xac: {  	_ =	swait.ge @!p1 [sflag:s23], $0x50  }
0xad: {  	[sflag:s23] =	ssyncset.done @!p1 $0x0  }
0xae: {  	[sflag:s23] =	ssyncadd.s32 @!p1 $0xFFFFFFB0;
	s23 =	simm.s32 @!p1 $0x3  }
0xaf: {  	_ =	swait.ge @!p1 [sflag:s23], $0x2800  }
0xb0: {  	[sflag:s23] =	ssyncset.done @!p1 $0x0  }
0xb1: {  	[sflag:s23] =	ssyncadd.s32 @!p1 $0xFFFFD800;
	s23 =	simm.s32 @!p1 $0x4  }
0xb2: {  	_ =	swait.ge @!p1 [sflag:s23], $0x2800  }
0xb3: {  	[sflag:s23] =	ssyncset.done @!p1 $0x0  }
0xb4: {  	[sflag:s23] =	ssyncadd.s32 @!p1 $0xFFFFD800;
	s23 =	simm.s32 @!p1 $0x50  }
0xb5: {  	[spmem:s15] =	stream.indirect.scatter.add.f32 @!p1 [tilespmem:s9], [sflag:$0x5], $0x80, s25, s23, $0xb8;
	[tilespmem:$0x1DA80] =	vst v63  }
0xb6: {  	_ = 	snop  }
0xb7: {  	[spmem:s15] =	stream.indirect.scatter.add.f32 @!p1 [tilespmem:s10], [sflag:$0x6], $0x80, s8, s23, $0xb8;
	[tilespmem:$0x1DA80] =	vst v63  }
0xb8: {  	s8 =	simm.s32 @!p2 $0x7  }
0xb9: {  	_ =	swait.ge @!p2 [sflag:s8], $0x50  }
0xba: {  	[sflag:s8] =	ssyncset.done @!p2 $0x0  }
0xbb: {  	[sflag:s8] =	ssyncadd.s32 @!p2 $0xFFFFFFB0;
	s8 =	simm.s32 @!p2 $0x8  }
0xbc: {  	_ =	swait.ge @!p2 [sflag:s8], $0x50  }
0xbd: {  	[sflag:s8] =	ssyncset.done @!p2 $0x0  }
0xbe: {  	[sflag:s8] =	ssyncadd.s32 @!p2 $0xFFFFFFB0;
	s8 =	simm.s32 @!p2 $0x9  }
0xbf: {  	_ =	swait.ge @!p2 [sflag:s8], $0x2800  }
0xc0: {  	[sflag:s8] =	ssyncset.done @!p2 $0x0  }
0xc1: {  	[sflag:s8] =	ssyncadd.s32 @!p2 $0xFFFFD800;
	s8 =	simm.s32 @!p2 $0xA  }
0xc2: {  	_ =	swait.ge @!p2 [sflag:s8], $0x2800  }
0xc3: {  	[sflag:s8] =	ssyncset.done @!p2 $0x0  }
0xc4: {  	[sflag:s8] =	ssyncadd.s32 @!p2 $0xFFFFD800;
	s8 =	simm.s32 @!p2 $0x50  }
0xc5: {  	[spmem:s15] =	stream.indirect.scatter.add.f32 @!p2 [tilespmem:s30], [sflag:$0xB], $0x80, s28, s8, $0xb8;
	[tilespmem:$0x1DA80] =	vst v63  }
0xc6: {  	s21 =	sadd.s32 @!p1 $0xA00, s21  }
0xc7: {  	[spmem:s15] =	stream.indirect.scatter.add.f32 @!p2 [tilespmem:s31], [sflag:$0xC], $0x80, s26, s8, $0xb8;
	[tilespmem:$0x1DA80] =	vst v63  }
0xc8: {  	p2 =	sne.s32 @!p1 s21, $0x27600  }
0xc9: {  	p2 =	por p1, !p2  }
.Ltmp0:
0xca: {  	_ = 	snop;
	(pc) =	sbr.rel @!p2 .LBB2_2-.Ltmp0, $3  }
0xcb: {  	_ =	sdelay $0x1  }
0xcc: {  	s22 =	sadd.s32 @!p1 $0x1, s22  }
0xcd: {  	s5 =	sadd.s32 @!p1 $0xA0, s5;
	s13 =	sadd.s32 @!p1 $0x14, s13;
	s20 =	sadd.s32 @!p1 $0x14, s20  }
0xce: {  	[bflag:$0x0] =	sbarrier.arrive $0xFFFF  }
0xcf: {  	[tilespmem:s6], [sflag:$0xE] =	stream.linear.gather [spmem:s14], $0x2800, $0x38;
	[tilespmem:$0x1DA80] =	vst v63  }
0xd0: {  	_ =	swait.ge [sflag:s4], $0x2800  }
0xd1: {  	[sflag:s4] =	ssyncset.done $0x0  }
0xd2: {  	s5 =	rddreg [dreg:$0x3];
	[sflag:s4] =	ssyncadd.s32 $0xFFFFD800  }
0xd3: {  	[hbm4b:s5+s1] =	stream.linear.scatter [tilespmem:s6], [sflag:$0xD], $0x2800, $0x38;
	[tilespmem:$0x1DA80] =	vst v63  }
0xd4: {  	_ =	swait.ge [sflag:s7], $0x2800  }
0xd5: {  	[sflag:s7] =	ssyncset.done $0x0  }
0xd6: {  	[sflag:s7] =	ssyncadd.s32 $0xFFFFD800  }
0xd7: {  	[tilespmem:s6], [sflag:$0xE] =	stream.linear.gather [spmem:s0], $0x2800, $0x38;
	[tilespmem:$0x1DA80] =	vst v63  }
0xd8: {  	_ =	swait.ge [sflag:s4], $0x2800  }
0xd9: {  	[sflag:s4] =	ssyncset.done $0x0  }
0xda: {  	s23 =	rddreg [dreg:$0x4];
	[sflag:s4] =	ssyncadd.s32 $0xFFFFD800  }
0xdb: {  	[hbm4b:s23+s1] =	stream.linear.scatter [tilespmem:s6], [sflag:$0xD], $0x2800, $0x38;
	[tilespmem:$0x1DA80] =	vst v63  }
0xdc: {  	_ =	swait.ge [sflag:s7], $0x2800  }
0xdd: {  	[sflag:s7] =	ssyncset.done $0x0  }
0xde: {  	[sflag:s7] =	ssyncadd.s32 $0xFFFFD800  }
0xdf: {  	[tilespmem:s6], [sflag:$0xE] =	stream.linear.gather [spmem:s2], $0x2800, $0x38;
	[tilespmem:$0x1DA80] =	vst v63  }
0xe0: {  	_ =	swait.ge [sflag:s4], $0x2800  }
0xe1: {  	[sflag:s4] =	ssyncset.done $0x0  }
0xe2: {  	s25 =	rddreg [dreg:$0x5];
	[sflag:s4] =	ssyncadd.s32 $0xFFFFD800  }
0xe3: {  	[hbm4b:s25+s1] =	stream.linear.scatter [tilespmem:s6], [sflag:$0xD], $0x2800, $0x38;
	[tilespmem:$0x1DA80] =	vst v63  }
0xe4: {  	_ =	swait.ge [sflag:s7], $0x2800  }
0xe5: {  	[sflag:s7] =	ssyncset.done $0x0  }
0xe6: {  	[sflag:s7] =	ssyncadd.s32 $0xFFFFD800  }
0xe7: {  	[tilespmem:s6], [sflag:$0xE] =	stream.linear.gather [spmem:s24], $0x2800, $0x38;
	[tilespmem:$0x1DA80] =	vst v63  }
0xe8: {  	_ =	swait.ge [sflag:s4], $0x2800  }
0xe9: {  	[sflag:s4] =	ssyncset.done $0x0  }
0xea: {  	s26 =	rddreg [dreg:$0x6];
	[sflag:s4] =	ssyncadd.s32 $0xFFFFD800  }
0xeb: {  	[hbm4b:s26+s1] =	stream.linear.scatter [tilespmem:s6], [sflag:$0xD], $0x2800, $0x38;
	[tilespmem:$0x1DA80] =	vst v63  }
0xec: {  	_ =	swait.ge [sflag:s7], $0x2800  }
0xed: {  	[sflag:s7] =	ssyncset.done $0x0  }
0xee: {  	s22 =	rddreg [dreg:$0x15];
	[sflag:s7] =	ssyncadd.s32 $0xFFFFD800  }
0xef: {  	[tilespmem:s6], [sflag:$0xE] =	stream.linear.gather [spmem:s22], $0x2800, $0x38;
	[tilespmem:$0x1DA80] =	vst v63  }
0xf0: {  	_ =	swait.ge [sflag:s4], $0x2800  }
0xf1: {  	[sflag:s4] =	ssyncset.done $0x0  }
0xf2: {  	s28 =	rddreg [dreg:$0x7];
	[sflag:s4] =	ssyncadd.s32 $0xFFFFD800  }
0xf3: {  	[hbm4b:s28+s1] =	stream.linear.scatter [tilespmem:s6], [sflag:$0xD], $0x2800, $0x38;
	[tilespmem:$0x1DA80] =	vst v63  }
0xf4: {  	_ =	swait.ge [sflag:s7], $0x2800  }
0xf5: {  	[sflag:s7] =	ssyncset.done $0x0  }
0xf6: {  	s23 =	rddreg [dreg:$0x16];
	[sflag:s7] =	ssyncadd.s32 $0xFFFFD800  }
0xf7: {  	[tilespmem:s6], [sflag:$0xE] =	stream.linear.gather [spmem:s23], $0x2800, $0x38;
	[tilespmem:$0x1DA80] =	vst v63  }
0xf8: {  	_ =	swait.ge [sflag:s4], $0x2800  }
0xf9: {  	[sflag:s4] =	ssyncset.done $0x0  }
0xfa: {  	s29 =	rddreg [dreg:$0x8];
	[sflag:s4] =	ssyncadd.s32 $0xFFFFD800  }
0xfb: {  	[hbm4b:s29+s1] =	stream.linear.scatter [tilespmem:s6], [sflag:$0xD], $0x2800, $0x38;
	[tilespmem:$0x1DA80] =	vst v63  }
0xfc: {  	_ =	swait.ge [sflag:s7], $0x2800  }
0xfd: {  	[sflag:s7] =	ssyncset.done $0x0  }
0xfe: {  	s25 =	rddreg [dreg:$0x17];
	[sflag:s7] =	ssyncadd.s32 $0xFFFFD800  }
0xff: {  	[tilespmem:s6], [sflag:$0xE] =	stream.linear.gather [spmem:s25], $0x2800, $0x38;
	[tilespmem:$0x1DA80] =	vst v63  }
0x100: {  	_ =	swait.ge [sflag:s4], $0x2800  }
0x101: {  	[sflag:s4] =	ssyncset.done $0x0  }
0x102: {  	s30 =	rddreg [dreg:$0x9];
	[sflag:s4] =	ssyncadd.s32 $0xFFFFD800  }
0x103: {  	[hbm4b:s30+s1] =	stream.linear.scatter [tilespmem:s6], [sflag:$0xD], $0x2800, $0x38;
	[tilespmem:$0x1DA80] =	vst v63  }
0x104: {  	_ =	swait.ge [sflag:s7], $0x2800  }
0x105: {  	s8 =	simm.s32 @!p0 $0xE;
	[sflag:s7] =	ssyncset.done $0x0  }
0x106: {  	s5 =	simm.s32 @!p0 $0x200;
	s26 =	rddreg [dreg:$0x18];
	[sflag:s7] =	ssyncadd.s32 $0xFFFFD800  }
0x107: {  	[tilespmem:s5], [sflag:$0xE] =	stream.linear.gather @!p0 [spmem:s26], $0x2800, $0x38;
	[tilespmem:$0x1DA80] =	vst v63  }
0x108: {  	_ =	swait.ge @!p0 [sflag:s8], $0x2800  }
0x109: {  	[sflag:s8] =	ssyncset.done @!p0 $0x0  }
0x10a: {  	s9 =	rddreg [dreg:$0xa];
	[sflag:s8] =	ssyncadd.s32 @!p0 $0xFFFFD800;
	s8 =	simm.s32 @!p0 $0x0  }
0x10b: {  	[hbm4b:s9+s8] =	stream.linear.scatter @!p0 [tilespmem:s5], [sflag:$0xD], $0x2800, $0x38;
	[tilespmem:$0x1DA80] =	vst v63  }
0x10c: {  	s5 =	simm.s32 @!p0 $0xD  }
0x10d: {  	_ =	swait.ge @!p0 [sflag:s5], $0x2800  }
0x10e: {  	s12 =	sadd.s32 $0x1, s12;
	s31 =	rddreg [dreg:$0x14]  }
0x10f: {  	p1 =	sne.s32 s12, s31  }
.Ltmp1:
0x110: {  	_ = 	snop;
	(pc) =	sbr.rel @p1 .LBB2_1-.Ltmp1, $3  }
0x111: {  	_ =	sdelay $0x1  }
0x112: {  	s10 =	smov.u32 s14;
	s13 =	smov.u32 s0;
	[sflag:s5] =	ssyncset.done @!p0 $0x0  }
0x113: {  	s20 =	smov.u32 s2;
	s21 =	smov.u32 s24;
	[sflag:s5] =	ssyncadd.s32 @!p0 $0xFFFFD800  }
0x114: {  	_ =	sfence.sel $0x180000  }
0x115: {  	[bflag:$0x0] =	sbarrier.arrive $0xFFFF  }
0x116: {  	_ =	strace $0x9000004A  }
0x117: {  	s0 =	stileid.u32;
	[bflag:$0x2] =	sbarrier.arrive $0xFFFF  }
0x118: {  	p0 =	sne.s32 s0, $0x0;
	s0 =	rddreg [dreg:$0x2]  }
0x119: {  	s0 =	sadd.s32 @!p0 $0x100000, s0  }
0x11a: {  	[sflag:s0] =	ssyncadd.tile.s32 @!p0 $0x1;
	_ =	shalt  }
.Lfunc_end2:
_tile_overlayer_lowered:
.L_overlay_start_2:
0x11b: {  	(tag) =	ssettag $0x2  }
0x11c: {  	s0 =	rddreg [dreg:$0x0];
	s2 =	stileid.u32  }
0x11d: {  	s1 =	rddreg [dreg:$0x1];
	p0 =	sne.s32 s2, $0x0  }
0x11e: {  	s3 =	rddreg [dreg:$0x2];
	[bflag:$0x3] =	sbarrier.arrive $0xFFFF;
	s2 =	simm.s32 @!p0 $0x1C0D  }
0x11f: {  	[timem:s3], [sflag:s2] =	dma.local @!p0 [hbm:s0], s1  }
0x120: {  	s0 =	simm.s32 @!p0 $0xD  }
0x121: {  	_ =	swait.ge @!p0 [sflag:s0], s1  }
0x122: {  	s1 =	ssub.s32 @!p0 $0x0, s1;
	[sflag:s0] =	ssyncset.done @!p0 $0x0  }
0x123: {  	[sflag:s0] =	ssyncadd.s32 @!p0 s1  }
0x124: {  	[bflag:$0x3] =	sbarrier.arrive $0xFFFF  }
0x125: {  	_ =	shalt  }

</sc_bundles>
